<compile_context>
chip_gen: v7x
topology: tpu7x:2x2x1
jax: 0.10.2.dev20260603
libtpu: 0.0.44.dev20260713+nightly
codegen_flags: <defaults>
</compile_context>

<pallas_src>
import jax
import jax.numpy as jnp
from jax import lax
from jax.experimental import pallas as pl
from jax.experimental.pallas import tpu as pltpu
from jax.experimental.pallas import tpu_sc as plsc

E = 8
D = 1024
F = 1408
N = 2048
TM = 256
NT = 2 * N // TM + E
P = NT * TM
RB = 128
TS = 256
NC = 2
NS = 16
NW = NC * NS
CHUNK = N // NW
WV = 128


def _router_body(x_ref, gw_ref, logits_ref, pos0_ref, pos1_ref, w0_ref,
                 w1_ref, te_ref, oh0_ref, oh1_ref, r0_ref, r1_ref):
    x = x_ref[...]
    logits = lax.dot_general(x, gw_ref[...], (((1,), (1,)), ((), ())),
                             preferred_element_type=jnp.float32)
    logits_ref[...] = logits
    m = jnp.max(logits, axis=1, keepdims=True)
    ex = jnp.exp(logits - m)
    probs = ex / jnp.sum(ex, axis=1, keepdims=True)
    idx = lax.broadcasted_iota(jnp.int32, (N, E), 1)
    m0 = jnp.max(probs, axis=1, keepdims=True)
    a0 = jnp.min(jnp.where(probs >= m0, idx, E), axis=1, keepdims=True)
    oh0 = idx == a0
    probs_m = jnp.where(oh0, -1.0, probs)
    m1 = jnp.max(probs_m, axis=1, keepdims=True)
    a1 = jnp.min(jnp.where(probs_m >= m1, idx, E), axis=1, keepdims=True)
    oh1 = idx == a1
    ssum = m0 + m1
    w0_ref[...] = jnp.broadcast_to(m0 / ssum, (N, WV))
    w1_ref[...] = jnp.broadcast_to(m1 / ssum, (N, WV))
    oh0f = oh0.astype(jnp.float32)
    oh1f = oh1.astype(jnp.float32)
    oh0_ref[...] = oh0f
    oh1_ref[...] = oh1f
    ir = lax.broadcasted_iota(jnp.int32, (RB, RB), 0)
    ic = lax.broadcasted_iota(jnp.int32, (RB, RB), 1)
    ltri = (ic < ir).astype(jnp.float32)

    def body(i, carry):
        c0, c1 = carry
        o0 = oh0_ref[pl.ds(i * RB, RB), :]
        o1 = oh1_ref[pl.ds(i * RB, RB), :]
        r0_ref[pl.ds(i * RB, RB), :] = c0 + lax.dot_general(
            ltri, o0, (((1,), (0,)), ((), ())), preferred_element_type=jnp.float32)
        r1_ref[pl.ds(i * RB, RB), :] = c1 + lax.dot_general(
            ltri, o1, (((1,), (0,)), ((), ())), preferred_element_type=jnp.float32)
        return (c0 + jnp.sum(o0, axis=0, keepdims=True),
                c1 + jnp.sum(o1, axis=0, keepdims=True))

    zero = jnp.zeros((1, E), jnp.float32)
    cnt0, cnt1 = lax.fori_loop(0, N // RB, body, (zero, zero))
    cnt = cnt0 + cnt1
    pc = float(TM) * jnp.floor((cnt + float(TM - 1)) / float(TM))
    ue = lax.broadcasted_iota(jnp.int32, (E, E), 0)
    ve = lax.broadcasted_iota(jnp.int32, (E, E), 1)
    uinc = (ue <= ve).astype(jnp.float32)
    off_next = lax.dot_general(pc, uinc, (((1,), (0,)), ((), ())),
                               preferred_element_type=jnp.float32)
    off = off_next - pc
    pos0 = jnp.sum(oh0f * (off + r0_ref[...]), axis=1, keepdims=True)
    pos1 = jnp.sum(oh1f * (off + cnt0 + r1_ref[...]), axis=1, keepdims=True)
    pos0_ref[...] = pos0.astype(jnp.int32)
    pos1_ref[...] = pos1.astype(jnp.int32)
    ts = lax.broadcasted_iota(jnp.int32, (NT, E), 0).astype(jnp.float32) * float(TM)
    te_ref[...] = jnp.sum((ts >= off_next).astype(jnp.int32), axis=1,
                          keepdims=True)


def _router(x, gate_w):
    return pl.pallas_call(
        _router_body,
        out_shape=(
            jax.ShapeDtypeStruct((N, E), jnp.float32),
            jax.ShapeDtypeStruct((N, 1), jnp.int32),
            jax.ShapeDtypeStruct((N, 1), jnp.int32),
            jax.ShapeDtypeStruct((N, WV), jnp.float32),
            jax.ShapeDtypeStruct((N, WV), jnp.float32),
            jax.ShapeDtypeStruct((NT, 1), jnp.int32),
        ),
        scratch_shapes=[pltpu.VMEM((N, E), jnp.float32) for _ in range(4)],
    )(x, gate_w)


def _dispatch_body(x_hbm, pos0_hbm, pos1_hbm, w0_hbm, w1_hbm, xs_hbm, ws_hbm,
                   idx0_v, idx1_v, rows_v, wrow_v, sem):
    wid = lax.axis_index("s") * NC + lax.axis_index("c")
    base = wid * CHUNK
    pltpu.sync_copy(pos0_hbm.at[pl.ds(base, CHUNK)], idx0_v)
    pltpu.sync_copy(pos1_hbm.at[pl.ds(base, CHUNK)], idx1_v)
    pltpu.sync_copy(x_hbm.at[pl.ds(base, CHUNK)], rows_v)
    pltpu.async_copy(rows_v, xs_hbm.at[idx0_v], sem).wait()
    pltpu.async_copy(rows_v, xs_hbm.at[idx1_v], sem).wait()
    pltpu.sync_copy(w0_hbm.at[pl.ds(base, CHUNK)], wrow_v)
    pltpu.async_copy(wrow_v, ws_hbm.at[idx0_v], sem).wait()
    pltpu.sync_copy(w1_hbm.at[pl.ds(base, CHUNK)], wrow_v)
    pltpu.async_copy(wrow_v, ws_hbm.at[idx1_v], sem).wait()


def _dispatch(x, pos0, pos1, w0, w1):
    return pl.kernel(
        _dispatch_body,
        mesh=plsc.VectorSubcoreMesh(core_axis_name="c", subcore_axis_name="s"),
        out_type=(jax.ShapeDtypeStruct((P, D), jnp.float32),
                  jax.ShapeDtypeStruct((P, WV), jnp.float32)),
        scratch_types=[
            pltpu.VMEM((CHUNK,), jnp.int32),
            pltpu.VMEM((CHUNK,), jnp.int32),
            pltpu.VMEM((CHUNK, D), jnp.float32),
            pltpu.VMEM((CHUNK, WV), jnp.float32),
            pltpu.SemaphoreType.DMA,
        ],
    )(x, pos0, pos1, w0, w1)


HC = 32


def _fincomb_body(y_hbm, pos0_hbm, pos1_hbm, shg_hbm, out_hbm, idx0_v, idx1_v,
                  rows0_v, rows1_v, acc_v, sem):
    wid = lax.axis_index("s") * NC + lax.axis_index("c")
    for half in range(CHUNK // HC):
        base = wid * CHUNK + half * HC
        pltpu.sync_copy(pos0_hbm.at[pl.ds(base, HC)], idx0_v)
        pltpu.sync_copy(pos1_hbm.at[pl.ds(base, HC)], idx1_v)
        pltpu.async_copy(y_hbm.at[idx0_v], rows0_v, sem).wait()
        pltpu.async_copy(y_hbm.at[idx1_v], rows1_v, sem).wait()
        pltpu.sync_copy(shg_hbm.at[pl.ds(base, HC)], acc_v)

        def tok(i, c):
            def chunk(j, c2):
                for u in range(4):
                    sl = pl.ds(j * 64 + u * 16, 16)
                    acc_v[i, sl] = acc_v[i, sl] + rows0_v[i, sl] + rows1_v[i, sl]
                return c2
            return lax.fori_loop(0, D // 64, chunk, c)

        lax.fori_loop(0, HC, tok, 0)
        pltpu.sync_copy(acc_v, out_hbm.at[pl.ds(base, HC)])


def _fincomb(y, pos0, pos1, shg):
    return pl.kernel(
        _fincomb_body,
        mesh=plsc.VectorSubcoreMesh(core_axis_name="c", subcore_axis_name="s"),
        out_type=jax.ShapeDtypeStruct((N, D), jnp.float32),
        scratch_types=[
            pltpu.VMEM((HC,), jnp.int32),
            pltpu.VMEM((HC,), jnp.int32),
            pltpu.VMEM((HC, D), jnp.float32),
            pltpu.VMEM((HC, D), jnp.float32),
            pltpu.VMEM((HC, D), jnp.float32),
            pltpu.SemaphoreType.DMA,
        ],
    )(y, pos0, pos1, shg)


def _shared_body(x_ref, wsg_ref, wsu_ref, wsd_ref, sgw_ref, out_ref):
    x = x_ref[...]
    g = lax.dot_general(x, wsg_ref[...], (((1,), (1,)), ((), ())),
                        preferred_element_type=jnp.float32)
    u = lax.dot_general(x, wsu_ref[...], (((1,), (1,)), ((), ())),
                        preferred_element_type=jnp.float32)
    h = g * jax.nn.sigmoid(g) * u
    sh = lax.dot_general(h, wsd_ref[...], (((1,), (1,)), ((), ())),
                         preferred_element_type=jnp.float32)
    sg = lax.dot_general(x, sgw_ref[...], (((1,), (1,)), ((), ())),
                         preferred_element_type=jnp.float32)
    out_ref[...] = jax.nn.sigmoid(sg) * sh


def _shared(x, ws_gate, ws_up, ws_down, shared_gate_w):
    return pl.pallas_call(
        _shared_body,
        grid=(N // TS,),
        in_specs=[
            pl.BlockSpec((TS, D), lambda i: (i, 0)),
            pl.BlockSpec((F, D), lambda i: (0, 0)),
            pl.BlockSpec((F, D), lambda i: (0, 0)),
            pl.BlockSpec((D, F), lambda i: (0, 0)),
            pl.BlockSpec((1, D), lambda i: (0, 0)),
        ],
        out_specs=pl.BlockSpec((TS, D), lambda i: (i, 0)),
        out_shape=jax.ShapeDtypeStruct((N, D), jnp.float32),
    )(x, ws_gate, ws_up, ws_down, shared_gate_w)


def _moe_body(te_ref, isf_ref, slot_ref, nxt_ref, nxts_ref, x_ref, wg_hbm,
              wu_hbm, wd_hbm, w_ref, y_ref, wg_b, wu_b, wd_b, sg, su, sd):
    t = pl.program_id(0)
    e = te_ref[t]
    s = slot_ref[t]
    nx = nxt_ref[t]
    ns = nxts_ref[t]

    @pl.when(t == 0)
    def _():
        pltpu.make_async_copy(wg_hbm.at[e], wg_b.at[s], sg.at[s]).start()
        pltpu.make_async_copy(wu_hbm.at[e], wu_b.at[s], su.at[s]).start()
        pltpu.make_async_copy(wd_hbm.at[e], wd_b.at[s], sd.at[s]).start()

    @pl.when((isf_ref[t] == 1) & (nx < E))
    def _():
        pltpu.make_async_copy(wg_hbm.at[nx], wg_b.at[ns], sg.at[ns]).start()
        pltpu.make_async_copy(wu_hbm.at[nx], wu_b.at[ns], su.at[ns]).start()
        pltpu.make_async_copy(wd_hbm.at[nx], wd_b.at[ns], sd.at[ns]).start()

    @pl.when(isf_ref[t] == 1)
    def _():
        pltpu.make_async_copy(wg_hbm.at[e], wg_b.at[s], sg.at[s]).wait()
        pltpu.make_async_copy(wu_hbm.at[e], wu_b.at[s], su.at[s]).wait()
        pltpu.make_async_copy(wd_hbm.at[e], wd_b.at[s], sd.at[s]).wait()

    def compute(slot):
        xt = x_ref[...]
        g = lax.dot_general(xt, wg_b[slot], (((1,), (1,)), ((), ())),
                            preferred_element_type=jnp.float32)
        u = lax.dot_general(xt, wu_b[slot], (((1,), (1,)), ((), ())),
                            preferred_element_type=jnp.float32)
        h = g * jax.nn.sigmoid(g) * u
        y = lax.dot_general(h, wd_b[slot], (((1,), (1,)), ((), ())),
                            preferred_element_type=jnp.float32)
        y_ref[...] = y * w_ref[:, :1]

    @pl.when((te_ref[t] < E) & (s == 0))
    def _():
        compute(0)

    @pl.when((te_ref[t] < E) & (s == 1))
    def _():
        compute(1)


def _moe(te, isf, slot, nxt, nxts, xs, w_gate, w_up, w_down, ws):
    return pl.pallas_call(
        _moe_body,
        grid_spec=pltpu.PrefetchScalarGridSpec(
            num_scalar_prefetch=5,
            grid=(NT,),
            in_specs=[
                pl.BlockSpec((TM, D), lambda t, *refs: (t, 0)),
                pl.BlockSpec(memory_space=pltpu.MemorySpace.HBM),
                pl.BlockSpec(memory_space=pltpu.MemorySpace.HBM),
                pl.BlockSpec(memory_space=pltpu.MemorySpace.HBM),
                pl.BlockSpec((TM, WV), lambda t, *refs: (t, 0)),
            ],
            out_specs=pl.BlockSpec((TM, D), lambda t, *refs: (t, 0)),
            scratch_shapes=[
                pltpu.VMEM((2, F, D), jnp.float32),
                pltpu.VMEM((2, F, D), jnp.float32),
                pltpu.VMEM((2, D, F), jnp.float32),
                pltpu.SemaphoreType.DMA((2,)),
                pltpu.SemaphoreType.DMA((2,)),
                pltpu.SemaphoreType.DMA((2,)),
            ],
        ),
        out_shape=jax.ShapeDtypeStruct((P, D), jnp.float32),
        compiler_params=pltpu.CompilerParams(
            vmem_limit_bytes=100 * 1024 * 1024),
    )(te, isf, slot, nxt, nxts, xs, w_gate, w_up, w_down, ws)


def _moe_meta(te):
    tef = te.reshape(NT)
    prev = jnp.concatenate([jnp.full((1,), -1, jnp.int32), tef[:-1]])
    isf = ((tef != prev) & (tef < E)).astype(jnp.int32)
    cums = jnp.cumsum(isf)
    slot = jnp.where(cums > 0, (cums - 1) % 2, 0).astype(jnp.int32)
    nxts = (cums % 2).astype(jnp.int32)
    tcol = jnp.arange(NT, dtype=jnp.int32)
    cand = jnp.where((tef[None, :] > tef[:, None]) & (tef[None, :] < E)
                     & (tcol[None, :] > tcol[:, None]), tef[None, :], E)
    nxt = cand.min(axis=1).astype(jnp.int32)
    return isf, slot, nxt, nxts


def kernel(hidden_states, gate_w, w_gate, w_up, w_down, ws_gate, ws_up,
           ws_down, shared_gate_w):
    b, s, dm = hidden_states.shape
    x = hidden_states.reshape(N, D)
    logits, pos0, pos1, w0, w1, te = _router(x, gate_w)
    pos0f = pos0.reshape(N)
    pos1f = pos1.reshape(N)
    xs, ws = _dispatch(x, pos0f, pos1f, w0, w1)
    shg = _shared(x, ws_gate, ws_up, ws_down, shared_gate_w)
    isf, slot, nxt, nxts = _moe_meta(te)
    y = _moe(te.reshape(NT), isf, slot, nxt, nxts, xs, w_gate, w_up, w_down,
             ws)
    final = _fincomb(y, pos0f, pos1f, shg)
    return final.reshape(b, s, dm), logits

# --- scband reference (transcript-rebuilt; emitter-appended) ---
"""Pipeline reference for scband-model-34110630264965 (READ-ONLY COPY).

The authoritative reference and input builder live on the scoring server;
editing this copy changes nothing except your own understanding.
"""

import jax, jax.numpy as jnp
import numpy as np

E = 8
TOP_K = 2
D_MODEL = 1024
D_FF = 1408
SHARED_D_FF = 1408
B = 1
S = 2048


def setup_inputs(seed: int = 0) -> dict:
    key = jax.random.key(seed)
    ks = jax.random.split(key, 9)
    inp = {
        "hidden_states": jax.random.normal(ks[0], (B, S, D_MODEL), dtype=jnp.float32),
        # router gate: Linear(d_model -> E), no bias (Qwen-MoE style)
        "gate_w": jax.random.normal(ks[1], (E, D_MODEL), dtype=jnp.float32) * 0.02,
        # routed experts, each: down(silu(gate(x)) * up(x))
        "w_gate": jax.random.normal(ks[2], (E, D_FF, D_MODEL), dtype=jnp.float32) * 0.02,
        "w_up": jax.random.normal(ks[3], (E, D_FF, D_MODEL), dtype=jnp.float32) * 0.02,
        "w_down": jax.random.normal(ks[4], (E, D_MODEL, D_FF), dtype=jnp.float32) * 0.02,
        # shared expert
        "ws_gate": jax.random.normal(ks[5], (SHARED_D_FF, D_MODEL), dtype=jnp.float32) * 0.02,
        "ws_up": jax.random.normal(ks[6], (SHARED_D_FF, D_MODEL), dtype=jnp.float32) * 0.02,
        "ws_down": jax.random.normal(ks[7], (D_MODEL, SHARED_D_FF), dtype=jnp.float32) * 0.02,
        # shared expert gate: Linear(d_model -> 1), no bias
        "shared_gate_w": jax.random.normal(ks[8], (1, D_MODEL), dtype=jnp.float32) * 0.02,
    }
    return inp


def reference(hidden_states, gate_w, w_gate, w_up, w_down, ws_gate, ws_up, ws_down, shared_gate_w):
    b, s, dm = hidden_states.shape
    x = hidden_states.reshape(-1, dm)  # [N, D]
    # router
    router_logits = x @ gate_w.T  # [N, E]
    routing_weights = jax.nn.softmax(router_logits.astype(jnp.float32), axis=1)
    top_w, selected_experts = jax.lax.top_k(routing_weights, TOP_K)  # [N, k]
    # norm_topk_prob = True
    top_w = top_w / jnp.sum(top_w, axis=-1, keepdims=True)
    top_w = top_w.astype(x.dtype)
    # dense dispatch/combine (mathematically identical to the per-expert gather/index_add loop)
    onehot = jax.nn.one_hot(selected_experts, E, dtype=x.dtype)  # [N, k, E]
    combine = jnp.sum(onehot * top_w[..., None], axis=1)  # [N, E]
    # routed experts: down(silu(gate(x)) * up(x))
    g = jnp.einsum('nd,efd->nef', x, w_gate)  # [N, E, F]
    u = jnp.einsum('nd,efd->nef', x, w_up)
    h = jax.nn.silu(g) * u
    eo = jnp.einsum('nef,edf->ned', h, w_down)  # [N, E, D]
    final = jnp.sum(eo * combine[:, :, None], axis=1)  # [N, D]
    # shared expert with sigmoid gate
    sh = jax.nn.silu(x @ ws_gate.T) * (x @ ws_up.T)
    sh = sh @ ws_down.T  # [N, D]
    sgate = jax.nn.sigmoid(x @ shared_gate_w.T)  # [N, 1]
    final = final + sgate * sh
    return final.reshape(b, s, dm), router_logits

if __name__ == "__main__":
    import jax
    _d = setup_inputs()
    print(jax.jit(kernel)(*tuple(_d.values())))

</pallas_src>

<mosaic_0001>
#map = affine_map<(d0, d1) -> (0, 0)>
#map1 = affine_map<(d0, d1) -> (0)>
module attributes {stable_mosaic.version = 14 : i64} {
  func.func @_fincomb_body(%arg0: i32, %arg1: i32, %arg2: memref<6144x1024xf32, #tpu.memory_space<hbm>>, %arg3: memref<2048xi32, #tpu.memory_space<hbm>>, %arg4: memref<2048xi32, #tpu.memory_space<hbm>>, %arg5: memref<2048x1024xf32, #tpu.memory_space<hbm>>, %arg6: memref<2048x1024xf32, #tpu.memory_space<hbm>>, %arg7: memref<32xi32, #tpu.memory_space<vmem>>, %arg8: memref<32xi32, #tpu.memory_space<vmem>>, %arg9: memref<32x1024xf32, #tpu.memory_space<vmem>>, %arg10: memref<32x1024xf32, #tpu.memory_space<vmem>>, %arg11: memref<32x1024xf32, #tpu.memory_space<vmem>>, %arg12: memref<!tpu.dma_semaphore, #tpu.memory_space<semaphore_mem>>) attributes {dimension_semantics = [#tpu.dimension_semantics<core_parallel>, #tpu.dimension_semantics<subcore_parallel>], iteration_bounds = array<i64: 2, 16>, scalar_prefetch = 0 : i64, scratch_operands = 6 : i64, tpu.core_type = #tpu.core_type<sc_vector_subcore>, window_params = [{transform_indices = #map}, {transform_indices = #map1}, {transform_indices = #map1}, {transform_indices = #map}, {transform_indices = #map}]} {
    %mul3A = arith.constant 2 : i32
    %mul3A_0 = arith.muli %arg1, %mul3A : i32
    %add3A = arith.addi %mul3A_0, %arg0 : i32
    %mul3A_1 = arith.constant 64 : i32
    %mul3A_2 = arith.muli %add3A, %mul3A_1 : i32
    %add3A_3 = arith.constant 0 : i32
    %add3A_4 = arith.addi %mul3A_2, %add3A_3 : i32
    "tpu.region"() ({
      %run_scoped3A = tpu.sem_alloc : memref<!tpu.dma_semaphore, #tpu.memory_space<semaphore_mem>>
      %dma_start3A_42 = tpu.memref_slice %arg3[%add3A_4] : memref<2048xi32, #tpu.memory_space<hbm>> -> memref<32xi32, #tpu.memory_space<hbm>>
      %dma_start3A_43 = tpu.memref_slice %arg3[%add3A_4] : memref<2048xi32, #tpu.memory_space<hbm>> -> memref<32xi32, #tpu.memory_space<hbm>>
      tpu.enqueue_dma source(%dma_start3A_43 : memref<32xi32, #tpu.memory_space<hbm>>) target(%arg7 : memref<32xi32, #tpu.memory_space<vmem>>) target_semaphore(%run_scoped3A : memref<!tpu.dma_semaphore, #tpu.memory_space<semaphore_mem>>)
      %dma_wait3A_44 = tpu.memref_slice %arg3[%add3A_4] : memref<2048xi32, #tpu.memory_space<hbm>> -> memref<32xi32, #tpu.memory_space<hbm>>
      %dma_wait3A_45 = tpu.memref_slice %arg3[%add3A_4] : memref<2048xi32, #tpu.memory_space<hbm>> -> memref<32xi32, #tpu.memory_space<hbm>>
      tpu.wait_dma2 semaphore(%run_scoped3A : memref<!tpu.dma_semaphore, #tpu.memory_space<semaphore_mem>>) src(%dma_wait3A_45 : memref<32xi32, #tpu.memory_space<hbm>>) dst(%arg7 : memref<32xi32, #tpu.memory_space<vmem>>)
      tpu.yield
    }) : () -> ()
    "tpu.region"() ({
      %run_scoped3A = tpu.sem_alloc : memref<!tpu.dma_semaphore, #tpu.memory_space<semaphore_mem>>
      %dma_start3A_42 = tpu.memref_slice %arg4[%add3A_4] : memref<2048xi32, #tpu.memory_space<hbm>> -> memref<32xi32, #tpu.memory_space<hbm>>
      %dma_start3A_43 = tpu.memref_slice %arg4[%add3A_4] : memref<2048xi32, #tpu.memory_space<hbm>> -> memref<32xi32, #tpu.memory_space<hbm>>
      tpu.enqueue_dma source(%dma_start3A_43 : memref<32xi32, #tpu.memory_space<hbm>>) target(%arg8 : memref<32xi32, #tpu.memory_space<vmem>>) target_semaphore(%run_scoped3A : memref<!tpu.dma_semaphore, #tpu.memory_space<semaphore_mem>>)
      %dma_wait3A_44 = tpu.memref_slice %arg4[%add3A_4] : memref<2048xi32, #tpu.memory_space<hbm>> -> memref<32xi32, #tpu.memory_space<hbm>>
      %dma_wait3A_45 = tpu.memref_slice %arg4[%add3A_4] : memref<2048xi32, #tpu.memory_space<hbm>> -> memref<32xi32, #tpu.memory_space<hbm>>
      tpu.wait_dma2 semaphore(%run_scoped3A : memref<!tpu.dma_semaphore, #tpu.memory_space<semaphore_mem>>) src(%dma_wait3A_45 : memref<32xi32, #tpu.memory_space<hbm>>) dst(%arg8 : memref<32xi32, #tpu.memory_space<vmem>>)
      tpu.yield
    }) : () -> ()
    %dma_start3A = arith.constant 0 : i32
    %dma_start3A_5 = arith.constant 0 : i32
    %dma_start3A_6 = tpu.memref_slice %arg2[%dma_start3A, %dma_start3A_5] : memref<6144x1024xf32, #tpu.memory_space<hbm>> -> memref<6144x1024xf32, #tpu.memory_space<hbm>>
    tpu.enqueue_indirect_dma source(%dma_start3A_6 : memref<6144x1024xf32, #tpu.memory_space<hbm>>) target(%arg9 : memref<32x1024xf32, #tpu.memory_space<vmem>>) offsets(%arg7 : memref<32xi32, #tpu.memory_space<vmem>>) semaphore(%arg12 : memref<!tpu.dma_semaphore, #tpu.memory_space<semaphore_mem>>)
    %dma_wait3A = arith.constant 0 : i32
    %dma_wait3A_7 = arith.constant 0 : i32
    %dma_wait3A_8 = tpu.memref_slice %arg2[%dma_wait3A, %dma_wait3A_7] : memref<6144x1024xf32, #tpu.memory_space<hbm>> -> memref<6144x1024xf32, #tpu.memory_space<hbm>>
    tpu.wait_indirect_dma semaphore(%arg12 : memref<!tpu.dma_semaphore, #tpu.memory_space<semaphore_mem>>) src(%dma_wait3A_8 : memref<6144x1024xf32, #tpu.memory_space<hbm>>) dst(%arg9 : memref<32x1024xf32, #tpu.memory_space<vmem>>)
    %dma_start3A_9 = arith.constant 0 : i32
    %dma_start3A_10 = arith.constant 0 : i32
    %dma_start3A_11 = tpu.memref_slice %arg2[%dma_start3A_9, %dma_start3A_10] : memref<6144x1024xf32, #tpu.memory_space<hbm>> -> memref<6144x1024xf32, #tpu.memory_space<hbm>>
    tpu.enqueue_indirect_dma source(%dma_start3A_11 : memref<6144x1024xf32, #tpu.memory_space<hbm>>) target(%arg10 : memref<32x1024xf32, #tpu.memory_space<vmem>>) offsets(%arg8 : memref<32xi32, #tpu.memory_space<vmem>>) semaphore(%arg12 : memref<!tpu.dma_semaphore, #tpu.memory_space<semaphore_mem>>)
    %dma_wait3A_12 = arith.constant 0 : i32
    %dma_wait3A_13 = arith.constant 0 : i32
    %dma_wait3A_14 = tpu.memref_slice %arg2[%dma_wait3A_12, %dma_wait3A_13] : memref<6144x1024xf32, #tpu.memory_space<hbm>> -> memref<6144x1024xf32, #tpu.memory_space<hbm>>
    tpu.wait_indirect_dma semaphore(%arg12 : memref<!tpu.dma_semaphore, #tpu.memory_space<semaphore_mem>>) src(%dma_wait3A_14 : memref<6144x1024xf32, #tpu.memory_space<hbm>>) dst(%arg10 : memref<32x1024xf32, #tpu.memory_space<vmem>>)
    "tpu.region"() ({
      %run_scoped3A = tpu.sem_alloc : memref<!tpu.dma_semaphore, #tpu.memory_space<semaphore_mem>>
      %dma_start3A_42 = arith.constant 0 : i32
      %dma_start3A_43 = tpu.memref_slice %arg5[%add3A_4, %dma_start3A_42] : memref<2048x1024xf32, #tpu.memory_space<hbm>> -> memref<32x1024xf32, #tpu.memory_space<hbm>>
      %dma_start3A_44 = arith.constant 0 : i32
      %dma_start3A_45 = tpu.memref_slice %arg5[%add3A_4, %dma_start3A_44] : memref<2048x1024xf32, #tpu.memory_space<hbm>> -> memref<32x1024xf32, #tpu.memory_space<hbm>>
      tpu.enqueue_dma source(%dma_start3A_45 : memref<32x1024xf32, #tpu.memory_space<hbm>>) target(%arg11 : memref<32x1024xf32, #tpu.memory_space<vmem>>) target_semaphore(%run_scoped3A : memref<!tpu.dma_semaphore, #tpu.memory_space<semaphore_mem>>)
      %dma_wait3A_46 = arith.constant 0 : i32
      %dma_wait3A_47 = tpu.memref_slice %arg5[%add3A_4, %dma_wait3A_46] : memref<2048x1024xf32, #tpu.memory_space<hbm>> -> memref<32x1024xf32, #tpu.memory_space<hbm>>
      %dma_wait3A_48 = arith.constant 0 : i32
      %dma_wait3A_49 = tpu.memref_slice %arg5[%add3A_4, %dma_wait3A_48] : memref<2048x1024xf32, #tpu.memory_space<hbm>> -> memref<32x1024xf32, #tpu.memory_space<hbm>>
      tpu.wait_dma2 semaphore(%run_scoped3A : memref<!tpu.dma_semaphore, #tpu.memory_space<semaphore_mem>>) src(%dma_wait3A_49 : memref<32x1024xf32, #tpu.memory_space<hbm>>) dst(%arg11 : memref<32x1024xf32, #tpu.memory_space<vmem>>)
      tpu.yield
    }) : () -> ()
    %scan3A = arith.constant 0 : i32
    %scan3A_15 = arith.constant 0 : i32
    %scan3A_16 = arith.constant 32 : i32
    %scan3A_17 = arith.addi %scan3A_15, %scan3A_16 : i32
    %scan3A_18 = arith.constant 1 : i32
    scf.for %scan3A_42 = %scan3A_15 to %scan3A_17 step %scan3A_18  : i32 {
      %scan3A_43 = arith.constant 0 : i32
      %scan3A_44 = arith.constant 16 : i32
      %scan3A_45 = arith.addi %scan3A_43, %scan3A_44 : i32
      %scan3A_46 = arith.constant 1 : i32
      scf.for %scan3A_48 = %scan3A_43 to %scan3A_45 step %scan3A_46  : i32 {
        %mul3A_49 = arith.constant 64 : i32
        %mul3A_50 = arith.muli %scan3A_48, %mul3A_49 : i32
        %add3A_51 = arith.constant 0 : i32
        %add3A_52 = arith.addi %mul3A_50, %add3A_51 : i32
        %get3A = arith.index_cast %scan3A_42 : i32 to index
        %get3A_53 = arith.index_cast %add3A_52 : i32 to index
        %get3A_54 = tpu.vector_load %arg11[%get3A, %get3A_53] {strides = array<i32>} : memref<32x1024xf32, #tpu.memory_space<vmem>>, vector<1x16xf32>,
        %get3A_55 = vector.shape_cast %get3A_54 : vector<1x16xf32> to vector<16xf32>
        %get3A_56 = arith.index_cast %scan3A_42 : i32 to index
        %get3A_57 = arith.index_cast %add3A_52 : i32 to index
        %get3A_58 = tpu.vector_load %arg9[%get3A_56, %get3A_57] {strides = array<i32>} : memref<32x1024xf32, #tpu.memory_space<vmem>>, vector<1x16xf32>,
        %get3A_59 = vector.shape_cast %get3A_58 : vector<1x16xf32> to vector<16xf32>
        %add3A_60 = arith.addf %get3A_55, %get3A_59 : vector<16xf32>
        %get3A_61 = arith.index_cast %scan3A_42 : i32 to index
        %get3A_62 = arith.index_cast %add3A_52 : i32 to index
        %get3A_63 = tpu.vector_load %arg10[%get3A_61, %get3A_62] {strides = array<i32>} : memref<32x1024xf32, #tpu.memory_space<vmem>>, vector<1x16xf32>,
        %get3A_64 = vector.shape_cast %get3A_63 : vector<1x16xf32> to vector<16xf32>
        %add3A_65 = arith.addf %add3A_60, %get3A_64 : vector<16xf32>
        %swap3A = arith.index_cast %scan3A_42 : i32 to index
        %swap3A_66 = arith.index_cast %add3A_52 : i32 to index
        %swap3A_67 = tpu.vector_load %arg11[%swap3A, %swap3A_66] {strides = array<i32>} : memref<32x1024xf32, #tpu.memory_space<vmem>>, vector<1x16xf32>,
        %swap3A_68 = vector.shape_cast %swap3A_67 : vector<1x16xf32> to vector<16xf32>
        %swap3A_69 = vector.shape_cast %add3A_65 : vector<16xf32> to vector<1x16xf32>
        tpu.vector_store %arg11[%swap3A, %swap3A_66], %swap3A_69 {strides = array<i32>} : memref<32x1024xf32, #tpu.memory_space<vmem>>, vector<1x16xf32>,
        %mul3A_70 = arith.constant 64 : i32
        %mul3A_71 = arith.muli %scan3A_48, %mul3A_70 : i32
        %add3A_72 = arith.constant 16 : i32
        %add3A_73 = arith.addi %mul3A_71, %add3A_72 : i32
        %get3A_74 = arith.index_cast %scan3A_42 : i32 to index
        %get3A_75 = arith.index_cast %add3A_73 : i32 to index
        %get3A_76 = tpu.vector_load %arg11[%get3A_74, %get3A_75] {strides = array<i32>} : memref<32x1024xf32, #tpu.memory_space<vmem>>, vector<1x16xf32>,
        %get3A_77 = vector.shape_cast %get3A_76 : vector<1x16xf32> to vector<16xf32>
        %get3A_78 = arith.index_cast %scan3A_42 : i32 to index
        %get3A_79 = arith.index_cast %add3A_73 : i32 to index
        %get3A_80 = tpu.vector_load %arg9[%get3A_78, %get3A_79] {strides = array<i32>} : memref<32x1024xf32, #tpu.memory_space<vmem>>, vector<1x16xf32>,
        %get3A_81 = vector.shape_cast %get3A_80 : vector<1x16xf32> to vector<16xf32>
        %add3A_82 = arith.addf %get3A_77, %get3A_81 : vector<16xf32>
        %get3A_83 = arith.index_cast %scan3A_42 : i32 to index
        %get3A_84 = arith.index_cast %add3A_73 : i32 to index
        %get3A_85 = tpu.vector_load %arg10[%get3A_83, %get3A_84] {strides = array<i32>} : memref<32x1024xf32, #tpu.memory_space<vmem>>, vector<1x16xf32>,
        %get3A_86 = vector.shape_cast %get3A_85 : vector<1x16xf32> to vector<16xf32>
        %add3A_87 = arith.addf %add3A_82, %get3A_86 : vector<16xf32>
        %swap3A_88 = arith.index_cast %scan3A_42 : i32 to index
        %swap3A_89 = arith.index_cast %add3A_73 : i32 to index
        %swap3A_90 = tpu.vector_load %arg11[%swap3A_88, %swap3A_89] {strides = array<i32>} : memref<32x1024xf32, #tpu.memory_space<vmem>>, vector<1x16xf32>,
        %swap3A_91 = vector.shape_cast %swap3A_90 : vector<1x16xf32> to vector<16xf32>
        %swap3A_92 = vector.shape_cast %add3A_87 : vector<16xf32> to vector<1x16xf32>
        tpu.vector_store %arg11[%swap3A_88, %swap3A_89], %swap3A_92 {strides = array<i32>} : memref<32x1024xf32, #tpu.memory_space<vmem>>, vector<1x16xf32>,
        %mul3A_93 = arith.constant 64 : i32
        %mul3A_94 = arith.muli %scan3A_48, %mul3A_93 : i32
        %add3A_95 = arith.constant 32 : i32
        %add3A_96 = arith.addi %mul3A_94, %add3A_95 : i32
        %get3A_97 = arith.index_cast %scan3A_42 : i32 to index
        %get3A_98 = arith.index_cast %add3A_96 : i32 to index
        %get3A_99 = tpu.vector_load %arg11[%get3A_97, %get3A_98] {strides = array<i32>} : memref<32x1024xf32, #tpu.memory_space<vmem>>, vector<1x16xf32>,
        %get3A_100 = vector.shape_cast %get3A_99 : vector<1x16xf32> to vector<16xf32>
        %get3A_101 = arith.index_cast %scan3A_42 : i32 to index
        %get3A_102 = arith.index_cast %add3A_96 : i32 to index
        %get3A_103 = tpu.vector_load %arg9[%get3A_101, %get3A_102] {strides = array<i32>} : memref<32x1024xf32, #tpu.memory_space<vmem>>, vector<1x16xf32>,
        %get3A_104 = vector.shape_cast %get3A_103 : vector<1x16xf32> to vector<16xf32>
        %add3A_105 = arith.addf %get3A_100, %get3A_104 : vector<16xf32>
        %get3A_106 = arith.index_cast %scan3A_42 : i32 to index
        %get3A_107 = arith.index_cast %add3A_96 : i32 to index
        %get3A_108 = tpu.vector_load %arg10[%get3A_106, %get3A_107] {strides = array<i32>} : memref<32x1024xf32, #tpu.memory_space<vmem>>, vector<1x16xf32>,
        %get3A_109 = vector.shape_cast %get3A_108 : vector<1x16xf32> to vector<16xf32>
        %add3A_110 = arith.addf %add3A_105, %get3A_109 : vector<16xf32>
        %swap3A_111 = arith.index_cast %scan3A_42 : i32 to index
        %swap3A_112 = arith.index_cast %add3A_96 : i32 to index
        %swap3A_113 = tpu.vector_load %arg11[%swap3A_111, %swap3A_112] {strides = array<i32>} : memref<32x1024xf32, #tpu.memory_space<vmem>>, vector<1x16xf32>,
        %swap3A_114 = vector.shape_cast %swap3A_113 : vector<1x16xf32> to vector<16xf32>
        %swap3A_115 = vector.shape_cast %add3A_110 : vector<16xf32> to vector<1x16xf32>
        tpu.vector_store %arg11[%swap3A_111, %swap3A_112], %swap3A_115 {strides = array<i32>} : memref<32x1024xf32, #tpu.memory_space<vmem>>, vector<1x16xf32>,
        %mul3A_116 = arith.constant 64 : i32
        %mul3A_117 = arith.muli %scan3A_48, %mul3A_116 : i32
        %add3A_118 = arith.constant 48 : i32
        %add3A_119 = arith.addi %mul3A_117, %add3A_118 : i32
        %get3A_120 = arith.index_cast %scan3A_42 : i32 to index
        %get3A_121 = arith.index_cast %add3A_119 : i32 to index
        %get3A_122 = tpu.vector_load %arg11[%get3A_120, %get3A_121] {strides = array<i32>} : memref<32x1024xf32, #tpu.memory_space<vmem>>, vector<1x16xf32>,
        %get3A_123 = vector.shape_cast %get3A_122 : vector<1x16xf32> to vector<16xf32>
        %get3A_124 = arith.index_cast %scan3A_42 : i32 to index
        %get3A_125 = arith.index_cast %add3A_119 : i32 to index
        %get3A_126 = tpu.vector_load %arg9[%get3A_124, %get3A_125] {strides = array<i32>} : memref<32x1024xf32, #tpu.memory_space<vmem>>, vector<1x16xf32>,
        %get3A_127 = vector.shape_cast %get3A_126 : vector<1x16xf32> to vector<16xf32>
        %add3A_128 = arith.addf %get3A_123, %get3A_127 : vector<16xf32>
        %get3A_129 = arith.index_cast %scan3A_42 : i32 to index
        %get3A_130 = arith.index_cast %add3A_119 : i32 to index
        %get3A_131 = tpu.vector_load %arg10[%get3A_129, %get3A_130] {strides = array<i32>} : memref<32x1024xf32, #tpu.memory_space<vmem>>, vector<1x16xf32>,
        %get3A_132 = vector.shape_cast %get3A_131 : vector<1x16xf32> to vector<16xf32>
        %add3A_133 = arith.addf %add3A_128, %get3A_132 : vector<16xf32>
        %swap3A_134 = arith.index_cast %scan3A_42 : i32 to index
        %swap3A_135 = arith.index_cast %add3A_119 : i32 to index
        %swap3A_136 = tpu.vector_load %arg11[%swap3A_134, %swap3A_135] {strides = array<i32>} : memref<32x1024xf32, #tpu.memory_space<vmem>>, vector<1x16xf32>,
        %swap3A_137 = vector.shape_cast %swap3A_136 : vector<1x16xf32> to vector<16xf32>
        %swap3A_138 = vector.shape_cast %add3A_133 : vector<16xf32> to vector<1x16xf32>
        tpu.vector_store %arg11[%swap3A_134, %swap3A_135], %swap3A_138 {strides = array<i32>} : memref<32x1024xf32, #tpu.memory_space<vmem>>, vector<1x16xf32>,
      }
      %scan3A_47 = arith.constant 16 : i32
    }
    %scan3A_19 = arith.constant 32 : i32
    "tpu.region"() ({
      %run_scoped3A = tpu.sem_alloc : memref<!tpu.dma_semaphore, #tpu.memory_space<semaphore_mem>>
      %dma_start3A_42 = arith.constant 0 : i32
      %dma_start3A_43 = tpu.memref_slice %arg6[%add3A_4, %dma_start3A_42] : memref<2048x1024xf32, #tpu.memory_space<hbm>> -> memref<32x1024xf32, #tpu.memory_space<hbm>>
      %dma_start3A_44 = arith.constant 0 : i32
      %dma_start3A_45 = tpu.memref_slice %arg6[%add3A_4, %dma_start3A_44] : memref<2048x1024xf32, #tpu.memory_space<hbm>> -> memref<32x1024xf32, #tpu.memory_space<hbm>>
      tpu.enqueue_dma source(%arg11 : memref<32x1024xf32, #tpu.memory_space<vmem>>) target(%dma_start3A_45 : memref<32x1024xf32, #tpu.memory_space<hbm>>) target_semaphore(%run_scoped3A : memref<!tpu.dma_semaphore, #tpu.memory_space<semaphore_mem>>)
      %dma_wait3A_46 = arith.constant 0 : i32
      %dma_wait3A_47 = tpu.memref_slice %arg6[%add3A_4, %dma_wait3A_46] : memref<2048x1024xf32, #tpu.memory_space<hbm>> -> memref<32x1024xf32, #tpu.memory_space<hbm>>
      %dma_wait3A_48 = arith.constant 0 : i32
      %dma_wait3A_49 = tpu.memref_slice %arg6[%add3A_4, %dma_wait3A_48] : memref<2048x1024xf32, #tpu.memory_space<hbm>> -> memref<32x1024xf32, #tpu.memory_space<hbm>>
      tpu.wait_dma2 semaphore(%run_scoped3A : memref<!tpu.dma_semaphore, #tpu.memory_space<semaphore_mem>>) src(%arg11 : memref<32x1024xf32, #tpu.memory_space<vmem>>) dst(%dma_wait3A_49 : memref<32x1024xf32, #tpu.memory_space<hbm>>)
      tpu.yield
    }) : () -> ()
    %mul3A_20 = arith.constant 64 : i32
    %mul3A_21 = arith.muli %add3A, %mul3A_20 : i32
    %add3A_22 = arith.constant 32 : i32
    %add3A_23 = arith.addi %mul3A_21, %add3A_22 : i32
    "tpu.region"() ({
      %run_scoped3A = tpu.sem_alloc : memref<!tpu.dma_semaphore, #tpu.memory_space<semaphore_mem>>
      %dma_start3A_42 = tpu.memref_slice %arg3[%add3A_23] : memref<2048xi32, #tpu.memory_space<hbm>> -> memref<32xi32, #tpu.memory_space<hbm>>
      %dma_start3A_43 = tpu.memref_slice %arg3[%add3A_23] : memref<2048xi32, #tpu.memory_space<hbm>> -> memref<32xi32, #tpu.memory_space<hbm>>
      tpu.enqueue_dma source(%dma_start3A_43 : memref<32xi32, #tpu.memory_space<hbm>>) target(%arg7 : memref<32xi32, #tpu.memory_space<vmem>>) target_semaphore(%run_scoped3A : memref<!tpu.dma_semaphore, #tpu.memory_space<semaphore_mem>>)
      %dma_wait3A_44 = tpu.memref_slice %arg3[%add3A_23] : memref<2048xi32, #tpu.memory_space<hbm>> -> memref<32xi32, #tpu.memory_space<hbm>>
      %dma_wait3A_45 = tpu.memref_slice %arg3[%add3A_23] : memref<2048xi32, #tpu.memory_space<hbm>> -> memref<32xi32, #tpu.memory_space<hbm>>
      tpu.wait_dma2 semaphore(%run_scoped3A : memref<!tpu.dma_semaphore, #tpu.memory_space<semaphore_mem>>) src(%dma_wait3A_45 : memref<32xi32, #tpu.memory_space<hbm>>) dst(%arg7 : memref<32xi32, #tpu.memory_space<vmem>>)
      tpu.yield
    }) : () -> ()
    "tpu.region"() ({
      %run_scoped3A = tpu.sem_alloc : memref<!tpu.dma_semaphore, #tpu.memory_space<semaphore_mem>>
      %dma_start3A_42 = tpu.memref_slice %arg4[%add3A_23] : memref<2048xi32, #tpu.memory_space<hbm>> -> memref<32xi32, #tpu.memory_space<hbm>>
      %dma_start3A_43 = tpu.memref_slice %arg4[%add3A_23] : memref<2048xi32, #tpu.memory_space<hbm>> -> memref<32xi32, #tpu.memory_space<hbm>>
      tpu.enqueue_dma source(%dma_start3A_43 : memref<32xi32, #tpu.memory_space<hbm>>) target(%arg8 : memref<32xi32, #tpu.memory_space<vmem>>) target_semaphore(%run_scoped3A : memref<!tpu.dma_semaphore, #tpu.memory_space<semaphore_mem>>)
      %dma_wait3A_44 = tpu.memref_slice %arg4[%add3A_23] : memref<2048xi32, #tpu.memory_space<hbm>> -> memref<32xi32, #tpu.memory_space<hbm>>
      %dma_wait3A_45 = tpu.memref_slice %arg4[%add3A_23] : memref<2048xi32, #tpu.memory_space<hbm>> -> memref<32xi32, #tpu.memory_space<hbm>>
      tpu.wait_dma2 semaphore(%run_scoped3A : memref<!tpu.dma_semaphore, #tpu.memory_space<semaphore_mem>>) src(%dma_wait3A_45 : memref<32xi32, #tpu.memory_space<hbm>>) dst(%arg8 : memref<32xi32, #tpu.memory_space<vmem>>)
      tpu.yield
    }) : () -> ()
    %dma_start3A_24 = arith.constant 0 : i32
    %dma_start3A_25 = arith.constant 0 : i32
    %dma_start3A_26 = tpu.memref_slice %arg2[%dma_start3A_24, %dma_start3A_25] : memref<6144x1024xf32, #tpu.memory_space<hbm>> -> memref<6144x1024xf32, #tpu.memory_space<hbm>>
    tpu.enqueue_indirect_dma source(%dma_start3A_26 : memref<6144x1024xf32, #tpu.memory_space<hbm>>) target(%arg9 : memref<32x1024xf32, #tpu.memory_space<vmem>>) offsets(%arg7 : memref<32xi32, #tpu.memory_space<vmem>>) semaphore(%arg12 : memref<!tpu.dma_semaphore, #tpu.memory_space<semaphore_mem>>)
    %dma_wait3A_27 = arith.constant 0 : i32
    %dma_wait3A_28 = arith.constant 0 : i32
    %dma_wait3A_29 = tpu.memref_slice %arg2[%dma_wait3A_27, %dma_wait3A_28] : memref<6144x1024xf32, #tpu.memory_space<hbm>> -> memref<6144x1024xf32, #tpu.memory_space<hbm>>
    tpu.wait_indirect_dma semaphore(%arg12 : memref<!tpu.dma_semaphore, #tpu.memory_space<semaphore_mem>>) src(%dma_wait3A_29 : memref<6144x1024xf32, #tpu.memory_space<hbm>>) dst(%arg9 : memref<32x1024xf32, #tpu.memory_space<vmem>>)
    %dma_start3A_30 = arith.constant 0 : i32
    %dma_start3A_31 = arith.constant 0 : i32
    %dma_start3A_32 = tpu.memref_slice %arg2[%dma_start3A_30, %dma_start3A_31] : memref<6144x1024xf32, #tpu.memory_space<hbm>> -> memref<6144x1024xf32, #tpu.memory_space<hbm>>
    tpu.enqueue_indirect_dma source(%dma_start3A_32 : memref<6144x1024xf32, #tpu.memory_space<hbm>>) target(%arg10 : memref<32x1024xf32, #tpu.memory_space<vmem>>) offsets(%arg8 : memref<32xi32, #tpu.memory_space<vmem>>) semaphore(%arg12 : memref<!tpu.dma_semaphore, #tpu.memory_space<semaphore_mem>>)
    %dma_wait3A_33 = arith.constant 0 : i32
    %dma_wait3A_34 = arith.constant 0 : i32
    %dma_wait3A_35 = tpu.memref_slice %arg2[%dma_wait3A_33, %dma_wait3A_34] : memref<6144x1024xf32, #tpu.memory_space<hbm>> -> memref<6144x1024xf32, #tpu.memory_space<hbm>>
    tpu.wait_indirect_dma semaphore(%arg12 : memref<!tpu.dma_semaphore, #tpu.memory_space<semaphore_mem>>) src(%dma_wait3A_35 : memref<6144x1024xf32, #tpu.memory_space<hbm>>) dst(%arg10 : memref<32x1024xf32, #tpu.memory_space<vmem>>)
    "tpu.region"() ({
      %run_scoped3A = tpu.sem_alloc : memref<!tpu.dma_semaphore, #tpu.memory_space<semaphore_mem>>
      %dma_start3A_42 = arith.constant 0 : i32
      %dma_start3A_43 = tpu.memref_slice %arg5[%add3A_23, %dma_start3A_42] : memref<2048x1024xf32, #tpu.memory_space<hbm>> -> memref<32x1024xf32, #tpu.memory_space<hbm>>
      %dma_start3A_44 = arith.constant 0 : i32
      %dma_start3A_45 = tpu.memref_slice %arg5[%add3A_23, %dma_start3A_44] : memref<2048x1024xf32, #tpu.memory_space<hbm>> -> memref<32x1024xf32, #tpu.memory_space<hbm>>
      tpu.enqueue_dma source(%dma_start3A_45 : memref<32x1024xf32, #tpu.memory_space<hbm>>) target(%arg11 : memref<32x1024xf32, #tpu.memory_space<vmem>>) target_semaphore(%run_scoped3A : memref<!tpu.dma_semaphore, #tpu.memory_space<semaphore_mem>>)
      %dma_wait3A_46 = arith.constant 0 : i32
      %dma_wait3A_47 = tpu.memref_slice %arg5[%add3A_23, %dma_wait3A_46] : memref<2048x1024xf32, #tpu.memory_space<hbm>> -> memref<32x1024xf32, #tpu.memory_space<hbm>>
      %dma_wait3A_48 = arith.constant 0 : i32
      %dma_wait3A_49 = tpu.memref_slice %arg5[%add3A_23, %dma_wait3A_48] : memref<2048x1024xf32, #tpu.memory_space<hbm>> -> memref<32x1024xf32, #tpu.memory_space<hbm>>
      tpu.wait_dma2 semaphore(%run_scoped3A : memref<!tpu.dma_semaphore, #tpu.memory_space<semaphore_mem>>) src(%dma_wait3A_49 : memref<32x1024xf32, #tpu.memory_space<hbm>>) dst(%arg11 : memref<32x1024xf32, #tpu.memory_space<vmem>>)
      tpu.yield
    }) : () -> ()
    %scan3A_36 = arith.constant 0 : i32
    %scan3A_37 = arith.constant 0 : i32
    %scan3A_38 = arith.constant 32 : i32
    %scan3A_39 = arith.addi %scan3A_37, %scan3A_38 : i32
    %scan3A_40 = arith.constant 1 : i32
    scf.for %scan3A_42 = %scan3A_37 to %scan3A_39 step %scan3A_40  : i32 {
      %scan3A_43 = arith.constant 0 : i32
      %scan3A_44 = arith.constant 16 : i32
      %scan3A_45 = arith.addi %scan3A_43, %scan3A_44 : i32
      %scan3A_46 = arith.constant 1 : i32
      scf.for %scan3A_48 = %scan3A_43 to %scan3A_45 step %scan3A_46  : i32 {
        %mul3A_49 = arith.constant 64 : i32
        %mul3A_50 = arith.muli %scan3A_48, %mul3A_49 : i32
        %add3A_51 = arith.constant 0 : i32
        %add3A_52 = arith.addi %mul3A_50, %add3A_51 : i32
        %get3A = arith.index_cast %scan3A_42 : i32 to index
        %get3A_53 = arith.index_cast %add3A_52 : i32 to index
        %get3A_54 = tpu.vector_load %arg11[%get3A, %get3A_53] {strides = array<i32>} : memref<32x1024xf32, #tpu.memory_space<vmem>>, vector<1x16xf32>,
        %get3A_55 = vector.shape_cast %get3A_54 : vector<1x16xf32> to vector<16xf32>
        %get3A_56 = arith.index_cast %scan3A_42 : i32 to index
        %get3A_57 = arith.index_cast %add3A_52 : i32 to index
        %get3A_58 = tpu.vector_load %arg9[%get3A_56, %get3A_57] {strides = array<i32>} : memref<32x1024xf32, #tpu.memory_space<vmem>>, vector<1x16xf32>,
        %get3A_59 = vector.shape_cast %get3A_58 : vector<1x16xf32> to vector<16xf32>
        %add3A_60 = arith.addf %get3A_55, %get3A_59 : vector<16xf32>
        %get3A_61 = arith.index_cast %scan3A_42 : i32 to index
        %get3A_62 = arith.index_cast %add3A_52 : i32 to index
        %get3A_63 = tpu.vector_load %arg10[%get3A_61, %get3A_62] {strides = array<i32>} : memref<32x1024xf32, #tpu.memory_space<vmem>>, vector<1x16xf32>,
        %get3A_64 = vector.shape_cast %get3A_63 : vector<1x16xf32> to vector<16xf32>
        %add3A_65 = arith.addf %add3A_60, %get3A_64 : vector<16xf32>
        %swap3A = arith.index_cast %scan3A_42 : i32 to index
        %swap3A_66 = arith.index_cast %add3A_52 : i32 to index
        %swap3A_67 = tpu.vector_load %arg11[%swap3A, %swap3A_66] {strides = array<i32>} : memref<32x1024xf32, #tpu.memory_space<vmem>>, vector<1x16xf32>,
        %swap3A_68 = vector.shape_cast %swap3A_67 : vector<1x16xf32> to vector<16xf32>
        %swap3A_69 = vector.shape_cast %add3A_65 : vector<16xf32> to vector<1x16xf32>
        tpu.vector_store %arg11[%swap3A, %swap3A_66], %swap3A_69 {strides = array<i32>} : memref<32x1024xf32, #tpu.memory_space<vmem>>, vector<1x16xf32>,
        %mul3A_70 = arith.constant 64 : i32
        %mul3A_71 = arith.muli %scan3A_48, %mul3A_70 : i32
        %add3A_72 = arith.constant 16 : i32
        %add3A_73 = arith.addi %mul3A_71, %add3A_72 : i32
        %get3A_74 = arith.index_cast %scan3A_42 : i32 to index
        %get3A_75 = arith.index_cast %add3A_73 : i32 to index
        %get3A_76 = tpu.vector_load %arg11[%get3A_74, %get3A_75] {strides = array<i32>} : memref<32x1024xf32, #tpu.memory_space<vmem>>, vector<1x16xf32>,
        %get3A_77 = vector.shape_cast %get3A_76 : vector<1x16xf32> to vector<16xf32>
        %get3A_78 = arith.index_cast %scan3A_42 : i32 to index
        %get3A_79 = arith.index_cast %add3A_73 : i32 to index
        %get3A_80 = tpu.vector_load %arg9[%get3A_78, %get3A_79] {strides = array<i32>} : memref<32x1024xf32, #tpu.memory_space<vmem>>, vector<1x16xf32>,
        %get3A_81 = vector.shape_cast %get3A_80 : vector<1x16xf32> to vector<16xf32>
        %add3A_82 = arith.addf %get3A_77, %get3A_81 : vector<16xf32>
        %get3A_83 = arith.index_cast %scan3A_42 : i32 to index
        %get3A_84 = arith.index_cast %add3A_73 : i32 to index
        %get3A_85 = tpu.vector_load %arg10[%get3A_83, %get3A_84] {strides = array<i32>} : memref<32x1024xf32, #tpu.memory_space<vmem>>, vector<1x16xf32>,
        %get3A_86 = vector.shape_cast %get3A_85 : vector<1x16xf32> to vector<16xf32>
        %add3A_87 = arith.addf %add3A_82, %get3A_86 : vector<16xf32>
        %swap3A_88 = arith.index_cast %scan3A_42 : i32 to index
        %swap3A_89 = arith.index_cast %add3A_73 : i32 to index
        %swap3A_90 = tpu.vector_load %arg11[%swap3A_88, %swap3A_89] {strides = array<i32>} : memref<32x1024xf32, #tpu.memory_space<vmem>>, vector<1x16xf32>,
        %swap3A_91 = vector.shape_cast %swap3A_90 : vector<1x16xf32> to vector<16xf32>
        %swap3A_92 = vector.shape_cast %add3A_87 : vector<16xf32> to vector<1x16xf32>
        tpu.vector_store %arg11[%swap3A_88, %swap3A_89], %swap3A_92 {strides = array<i32>} : memref<32x1024xf32, #tpu.memory_space<vmem>>, vector<1x16xf32>,
        %mul3A_93 = arith.constant 64 : i32
        %mul3A_94 = arith.muli %scan3A_48, %mul3A_93 : i32
        %add3A_95 = arith.constant 32 : i32
        %add3A_96 = arith.addi %mul3A_94, %add3A_95 : i32
        %get3A_97 = arith.index_cast %scan3A_42 : i32 to index
        %get3A_98 = arith.index_cast %add3A_96 : i32 to index
        %get3A_99 = tpu.vector_load %arg11[%get3A_97, %get3A_98] {strides = array<i32>} : memref<32x1024xf32, #tpu.memory_space<vmem>>, vector<1x16xf32>,
        %get3A_100 = vector.shape_cast %get3A_99 : vector<1x16xf32> to vector<16xf32>
        %get3A_101 = arith.index_cast %scan3A_42 : i32 to index
        %get3A_102 = arith.index_cast %add3A_96 : i32 to index
        %get3A_103 = tpu.vector_load %arg9[%get3A_101, %get3A_102] {strides = array<i32>} : memref<32x1024xf32, #tpu.memory_space<vmem>>, vector<1x16xf32>,
        %get3A_104 = vector.shape_cast %get3A_103 : vector<1x16xf32> to vector<16xf32>
        %add3A_105 = arith.addf %get3A_100, %get3A_104 : vector<16xf32>
        %get3A_106 = arith.index_cast %scan3A_42 : i32 to index
        %get3A_107 = arith.index_cast %add3A_96 : i32 to index
        %get3A_108 = tpu.vector_load %arg10[%get3A_106, %get3A_107] {strides = array<i32>} : memref<32x1024xf32, #tpu.memory_space<vmem>>, vector<1x16xf32>,
        %get3A_109 = vector.shape_cast %get3A_108 : vector<1x16xf32> to vector<16xf32>
        %add3A_110 = arith.addf %add3A_105, %get3A_109 : vector<16xf32>
        %swap3A_111 = arith.index_cast %scan3A_42 : i32 to index
        %swap3A_112 = arith.index_cast %add3A_96 : i32 to index
        %swap3A_113 = tpu.vector_load %arg11[%swap3A_111, %swap3A_112] {strides = array<i32>} : memref<32x1024xf32, #tpu.memory_space<vmem>>, vector<1x16xf32>,
        %swap3A_114 = vector.shape_cast %swap3A_113 : vector<1x16xf32> to vector<16xf32>
        %swap3A_115 = vector.shape_cast %add3A_110 : vector<16xf32> to vector<1x16xf32>
        tpu.vector_store %arg11[%swap3A_111, %swap3A_112], %swap3A_115 {strides = array<i32>} : memref<32x1024xf32, #tpu.memory_space<vmem>>, vector<1x16xf32>,
        %mul3A_116 = arith.constant 64 : i32
        %mul3A_117 = arith.muli %scan3A_48, %mul3A_116 : i32
        %add3A_118 = arith.constant 48 : i32
        %add3A_119 = arith.addi %mul3A_117, %add3A_118 : i32
        %get3A_120 = arith.index_cast %scan3A_42 : i32 to index
        %get3A_121 = arith.index_cast %add3A_119 : i32 to index
        %get3A_122 = tpu.vector_load %arg11[%get3A_120, %get3A_121] {strides = array<i32>} : memref<32x1024xf32, #tpu.memory_space<vmem>>, vector<1x16xf32>,
        %get3A_123 = vector.shape_cast %get3A_122 : vector<1x16xf32> to vector<16xf32>
        %get3A_124 = arith.index_cast %scan3A_42 : i32 to index
        %get3A_125 = arith.index_cast %add3A_119 : i32 to index
        %get3A_126 = tpu.vector_load %arg9[%get3A_124, %get3A_125] {strides = array<i32>} : memref<32x1024xf32, #tpu.memory_space<vmem>>, vector<1x16xf32>,
        %get3A_127 = vector.shape_cast %get3A_126 : vector<1x16xf32> to vector<16xf32>
        %add3A_128 = arith.addf %get3A_123, %get3A_127 : vector<16xf32>
        %get3A_129 = arith.index_cast %scan3A_42 : i32 to index
        %get3A_130 = arith.index_cast %add3A_119 : i32 to index
        %get3A_131 = tpu.vector_load %arg10[%get3A_129, %get3A_130] {strides = array<i32>} : memref<32x1024xf32, #tpu.memory_space<vmem>>, vector<1x16xf32>,
        %get3A_132 = vector.shape_cast %get3A_131 : vector<1x16xf32> to vector<16xf32>
        %add3A_133 = arith.addf %add3A_128, %get3A_132 : vector<16xf32>
        %swap3A_134 = arith.index_cast %scan3A_42 : i32 to index
        %swap3A_135 = arith.index_cast %add3A_119 : i32 to index
        %swap3A_136 = tpu.vector_load %arg11[%swap3A_134, %swap3A_135] {strides = array<i32>} : memref<32x1024xf32, #tpu.memory_space<vmem>>, vector<1x16xf32>,
        %swap3A_137 = vector.shape_cast %swap3A_136 : vector<1x16xf32> to vector<16xf32>
        %swap3A_138 = vector.shape_cast %add3A_133 : vector<16xf32> to vector<1x16xf32>
        tpu.vector_store %arg11[%swap3A_134, %swap3A_135], %swap3A_138 {strides = array<i32>} : memref<32x1024xf32, #tpu.memory_space<vmem>>, vector<1x16xf32>,
      }
      %scan3A_47 = arith.constant 16 : i32
    }
    %scan3A_41 = arith.constant 32 : i32
    "tpu.region"() ({
      %run_scoped3A = tpu.sem_alloc : memref<!tpu.dma_semaphore, #tpu.memory_space<semaphore_mem>>
      %dma_start3A_42 = arith.constant 0 : i32
      %dma_start3A_43 = tpu.memref_slice %arg6[%add3A_23, %dma_start3A_42] : memref<2048x1024xf32, #tpu.memory_space<hbm>> -> memref<32x1024xf32, #tpu.memory_space<hbm>>
      %dma_start3A_44 = arith.constant 0 : i32
      %dma_start3A_45 = tpu.memref_slice %arg6[%add3A_23, %dma_start3A_44] : memref<2048x1024xf32, #tpu.memory_space<hbm>> -> memref<32x1024xf32, #tpu.memory_space<hbm>>
      tpu.enqueue_dma source(%arg11 : memref<32x1024xf32, #tpu.memory_space<vmem>>) target(%dma_start3A_45 : memref<32x1024xf32, #tpu.memory_space<hbm>>) target_semaphore(%run_scoped3A : memref<!tpu.dma_semaphore, #tpu.memory_space<semaphore_mem>>)
      %dma_wait3A_46 = arith.constant 0 : i32
      %dma_wait3A_47 = tpu.memref_slice %arg6[%add3A_23, %dma_wait3A_46] : memref<2048x1024xf32, #tpu.memory_space<hbm>> -> memref<32x1024xf32, #tpu.memory_space<hbm>>
      %dma_wait3A_48 = arith.constant 0 : i32
      %dma_wait3A_49 = tpu.memref_slice %arg6[%add3A_23, %dma_wait3A_48] : memref<2048x1024xf32, #tpu.memory_space<hbm>> -> memref<32x1024xf32, #tpu.memory_space<hbm>>
      tpu.wait_dma2 semaphore(%run_scoped3A : memref<!tpu.dma_semaphore, #tpu.memory_space<semaphore_mem>>) src(%arg11 : memref<32x1024xf32, #tpu.memory_space<vmem>>) dst(%dma_wait3A_49 : memref<32x1024xf32, #tpu.memory_space<hbm>>)
      tpu.yield
    }) : () -> ()
    return
  }
}

#map = affine_map<(d0, d1) -> (0, 0)>
#map1 = affine_map<(d0, d1) -> (0)>
module attributes {stable_mosaic.version = 14 : i64} {
  func.func @_dispatch_body(%arg0: i32, %arg1: i32, %arg2: memref<2048x1024xf32, #tpu.memory_space<hbm>>, %arg3: memref<2048xi32, #tpu.memory_space<hbm>>, %arg4: memref<2048xi32, #tpu.memory_space<hbm>>, %arg5: memref<2048x128xf32, #tpu.memory_space<hbm>>, %arg6: memref<2048x128xf32, #tpu.memory_space<hbm>>, %arg7: memref<6144x1024xf32, #tpu.memory_space<hbm>>, %arg8: memref<6144x128xf32, #tpu.memory_space<hbm>>, %arg9: memref<64xi32, #tpu.memory_space<vmem>>, %arg10: memref<64xi32, #tpu.memory_space<vmem>>, %arg11: memref<64x1024xf32, #tpu.memory_space<vmem>>, %arg12: memref<64x128xf32, #tpu.memory_space<vmem>>, %arg13: memref<!tpu.dma_semaphore, #tpu.memory_space<semaphore_mem>>) attributes {dimension_semantics = [#tpu.dimension_semantics<core_parallel>, #tpu.dimension_semantics<subcore_parallel>], iteration_bounds = array<i64: 2, 16>, scalar_prefetch = 0 : i64, scratch_operands = 5 : i64, tpu.core_type = #tpu.core_type<sc_vector_subcore>, window_params = [{transform_indices = #map}, {transform_indices = #map1}, {transform_indices = #map1}, {transform_indices = #map}, {transform_indices = #map}, {transform_indices = #map}, {transform_indices = #map}]} {
    %mul3A = arith.constant 2 : i32
    %mul3A_0 = arith.muli %arg1, %mul3A : i32
    %add3A = arith.addi %mul3A_0, %arg0 : i32
    %mul3A_1 = arith.constant 64 : i32
    %mul3A_2 = arith.muli %add3A, %mul3A_1 : i32
    "tpu.region"() ({
      %run_scoped3A = tpu.sem_alloc : memref<!tpu.dma_semaphore, #tpu.memory_space<semaphore_mem>>
      %dma_start3A_25 = tpu.memref_slice %arg3[%mul3A_2] : memref<2048xi32, #tpu.memory_space<hbm>> -> memref<64xi32, #tpu.memory_space<hbm>>
      %dma_start3A_26 = tpu.memref_slice %arg3[%mul3A_2] : memref<2048xi32, #tpu.memory_space<hbm>> -> memref<64xi32, #tpu.memory_space<hbm>>
      tpu.enqueue_dma source(%dma_start3A_26 : memref<64xi32, #tpu.memory_space<hbm>>) target(%arg9 : memref<64xi32, #tpu.memory_space<vmem>>) target_semaphore(%run_scoped3A : memref<!tpu.dma_semaphore, #tpu.memory_space<semaphore_mem>>)
      %dma_wait3A_27 = tpu.memref_slice %arg3[%mul3A_2] : memref<2048xi32, #tpu.memory_space<hbm>> -> memref<64xi32, #tpu.memory_space<hbm>>
      %dma_wait3A_28 = tpu.memref_slice %arg3[%mul3A_2] : memref<2048xi32, #tpu.memory_space<hbm>> -> memref<64xi32, #tpu.memory_space<hbm>>
      tpu.wait_dma2 semaphore(%run_scoped3A : memref<!tpu.dma_semaphore, #tpu.memory_space<semaphore_mem>>) src(%dma_wait3A_28 : memref<64xi32, #tpu.memory_space<hbm>>) dst(%arg9 : memref<64xi32, #tpu.memory_space<vmem>>)
      tpu.yield
    }) : () -> ()
    "tpu.region"() ({
      %run_scoped3A = tpu.sem_alloc : memref<!tpu.dma_semaphore, #tpu.memory_space<semaphore_mem>>
      %dma_start3A_25 = tpu.memref_slice %arg4[%mul3A_2] : memref<2048xi32, #tpu.memory_space<hbm>> -> memref<64xi32, #tpu.memory_space<hbm>>
      %dma_start3A_26 = tpu.memref_slice %arg4[%mul3A_2] : memref<2048xi32, #tpu.memory_space<hbm>> -> memref<64xi32, #tpu.memory_space<hbm>>
      tpu.enqueue_dma source(%dma_start3A_26 : memref<64xi32, #tpu.memory_space<hbm>>) target(%arg10 : memref<64xi32, #tpu.memory_space<vmem>>) target_semaphore(%run_scoped3A : memref<!tpu.dma_semaphore, #tpu.memory_space<semaphore_mem>>)
      %dma_wait3A_27 = tpu.memref_slice %arg4[%mul3A_2] : memref<2048xi32, #tpu.memory_space<hbm>> -> memref<64xi32, #tpu.memory_space<hbm>>
      %dma_wait3A_28 = tpu.memref_slice %arg4[%mul3A_2] : memref<2048xi32, #tpu.memory_space<hbm>> -> memref<64xi32, #tpu.memory_space<hbm>>
      tpu.wait_dma2 semaphore(%run_scoped3A : memref<!tpu.dma_semaphore, #tpu.memory_space<semaphore_mem>>) src(%dma_wait3A_28 : memref<64xi32, #tpu.memory_space<hbm>>) dst(%arg10 : memref<64xi32, #tpu.memory_space<vmem>>)
      tpu.yield
    }) : () -> ()
    "tpu.region"() ({
      %run_scoped3A = tpu.sem_alloc : memref<!tpu.dma_semaphore, #tpu.memory_space<semaphore_mem>>
      %dma_start3A_25 = arith.constant 0 : i32
      %dma_start3A_26 = tpu.memref_slice %arg2[%mul3A_2, %dma_start3A_25] : memref<2048x1024xf32, #tpu.memory_space<hbm>> -> memref<64x1024xf32, #tpu.memory_space<hbm>>
      %dma_start3A_27 = arith.constant 0 : i32
      %dma_start3A_28 = tpu.memref_slice %arg2[%mul3A_2, %dma_start3A_27] : memref<2048x1024xf32, #tpu.memory_space<hbm>> -> memref<64x1024xf32, #tpu.memory_space<hbm>>
      tpu.enqueue_dma source(%dma_start3A_28 : memref<64x1024xf32, #tpu.memory_space<hbm>>) target(%arg11 : memref<64x1024xf32, #tpu.memory_space<vmem>>) target_semaphore(%run_scoped3A : memref<!tpu.dma_semaphore, #tpu.memory_space<semaphore_mem>>)
      %dma_wait3A_29 = arith.constant 0 : i32
      %dma_wait3A_30 = tpu.memref_slice %arg2[%mul3A_2, %dma_wait3A_29] : memref<2048x1024xf32, #tpu.memory_space<hbm>> -> memref<64x1024xf32, #tpu.memory_space<hbm>>
      %dma_wait3A_31 = arith.constant 0 : i32
      %dma_wait3A_32 = tpu.memref_slice %arg2[%mul3A_2, %dma_wait3A_31] : memref<2048x1024xf32, #tpu.memory_space<hbm>> -> memref<64x1024xf32, #tpu.memory_space<hbm>>
      tpu.wait_dma2 semaphore(%run_scoped3A : memref<!tpu.dma_semaphore, #tpu.memory_space<semaphore_mem>>) src(%dma_wait3A_32 : memref<64x1024xf32, #tpu.memory_space<hbm>>) dst(%arg11 : memref<64x1024xf32, #tpu.memory_space<vmem>>)
      tpu.yield
    }) : () -> ()
    %dma_start3A = arith.constant 0 : i32
    %dma_start3A_3 = arith.constant 0 : i32
    %dma_start3A_4 = tpu.memref_slice %arg7[%dma_start3A, %dma_start3A_3] : memref<6144x1024xf32, #tpu.memory_space<hbm>> -> memref<6144x1024xf32, #tpu.memory_space<hbm>>
    tpu.enqueue_indirect_dma source(%arg11 : memref<64x1024xf32, #tpu.memory_space<vmem>>) target(%dma_start3A_4 : memref<6144x1024xf32, #tpu.memory_space<hbm>>) offsets(%arg9 : memref<64xi32, #tpu.memory_space<vmem>>) semaphore(%arg13 : memref<!tpu.dma_semaphore, #tpu.memory_space<semaphore_mem>>)
    %dma_wait3A = arith.constant 0 : i32
    %dma_wait3A_5 = arith.constant 0 : i32
    %dma_wait3A_6 = tpu.memref_slice %arg7[%dma_wait3A, %dma_wait3A_5] : memref<6144x1024xf32, #tpu.memory_space<hbm>> -> memref<6144x1024xf32, #tpu.memory_space<hbm>>
    tpu.wait_indirect_dma semaphore(%arg13 : memref<!tpu.dma_semaphore, #tpu.memory_space<semaphore_mem>>) src(%arg11 : memref<64x1024xf32, #tpu.memory_space<vmem>>) dst(%dma_wait3A_6 : memref<6144x1024xf32, #tpu.memory_space<hbm>>)
    %dma_start3A_7 = arith.constant 0 : i32
    %dma_start3A_8 = arith.constant 0 : i32
    %dma_start3A_9 = tpu.memref_slice %arg7[%dma_start3A_7, %dma_start3A_8] : memref<6144x1024xf32, #tpu.memory_space<hbm>> -> memref<6144x1024xf32, #tpu.memory_space<hbm>>
    tpu.enqueue_indirect_dma source(%arg11 : memref<64x1024xf32, #tpu.memory_space<vmem>>) target(%dma_start3A_9 : memref<6144x1024xf32, #tpu.memory_space<hbm>>) offsets(%arg10 : memref<64xi32, #tpu.memory_space<vmem>>) semaphore(%arg13 : memref<!tpu.dma_semaphore, #tpu.memory_space<semaphore_mem>>)
    %dma_wait3A_10 = arith.constant 0 : i32
    %dma_wait3A_11 = arith.constant 0 : i32
    %dma_wait3A_12 = tpu.memref_slice %arg7[%dma_wait3A_10, %dma_wait3A_11] : memref<6144x1024xf32, #tpu.memory_space<hbm>> -> memref<6144x1024xf32, #tpu.memory_space<hbm>>
    tpu.wait_indirect_dma semaphore(%arg13 : memref<!tpu.dma_semaphore, #tpu.memory_space<semaphore_mem>>) src(%arg11 : memref<64x1024xf32, #tpu.memory_space<vmem>>) dst(%dma_wait3A_12 : memref<6144x1024xf32, #tpu.memory_space<hbm>>)
    "tpu.region"() ({
      %run_scoped3A = tpu.sem_alloc : memref<!tpu.dma_semaphore, #tpu.memory_space<semaphore_mem>>
      %dma_start3A_25 = arith.constant 0 : i32
      %dma_start3A_26 = tpu.memref_slice %arg5[%mul3A_2, %dma_start3A_25] : memref<2048x128xf32, #tpu.memory_space<hbm>> -> memref<64x128xf32, #tpu.memory_space<hbm>>
      %dma_start3A_27 = arith.constant 0 : i32
      %dma_start3A_28 = tpu.memref_slice %arg5[%mul3A_2, %dma_start3A_27] : memref<2048x128xf32, #tpu.memory_space<hbm>> -> memref<64x128xf32, #tpu.memory_space<hbm>>
      tpu.enqueue_dma source(%dma_start3A_28 : memref<64x128xf32, #tpu.memory_space<hbm>>) target(%arg12 : memref<64x128xf32, #tpu.memory_space<vmem>>) target_semaphore(%run_scoped3A : memref<!tpu.dma_semaphore, #tpu.memory_space<semaphore_mem>>)
      %dma_wait3A_29 = arith.constant 0 : i32
      %dma_wait3A_30 = tpu.memref_slice %arg5[%mul3A_2, %dma_wait3A_29] : memref<2048x128xf32, #tpu.memory_space<hbm>> -> memref<64x128xf32, #tpu.memory_space<hbm>>
      %dma_wait3A_31 = arith.constant 0 : i32
      %dma_wait3A_32 = tpu.memref_slice %arg5[%mul3A_2, %dma_wait3A_31] : memref<2048x128xf32, #tpu.memory_space<hbm>> -> memref<64x128xf32, #tpu.memory_space<hbm>>
      tpu.wait_dma2 semaphore(%run_scoped3A : memref<!tpu.dma_semaphore, #tpu.memory_space<semaphore_mem>>) src(%dma_wait3A_32 : memref<64x128xf32, #tpu.memory_space<hbm>>) dst(%arg12 : memref<64x128xf32, #tpu.memory_space<vmem>>)
      tpu.yield
    }) : () -> ()
    %dma_start3A_13 = arith.constant 0 : i32
    %dma_start3A_14 = arith.constant 0 : i32
    %dma_start3A_15 = tpu.memref_slice %arg8[%dma_start3A_13, %dma_start3A_14] : memref<6144x128xf32, #tpu.memory_space<hbm>> -> memref<6144x128xf32, #tpu.memory_space<hbm>>
    tpu.enqueue_indirect_dma source(%arg12 : memref<64x128xf32, #tpu.memory_space<vmem>>) target(%dma_start3A_15 : memref<6144x128xf32, #tpu.memory_space<hbm>>) offsets(%arg9 : memref<64xi32, #tpu.memory_space<vmem>>) semaphore(%arg13 : memref<!tpu.dma_semaphore, #tpu.memory_space<semaphore_mem>>)
    %dma_wait3A_16 = arith.constant 0 : i32
    %dma_wait3A_17 = arith.constant 0 : i32
    %dma_wait3A_18 = tpu.memref_slice %arg8[%dma_wait3A_16, %dma_wait3A_17] : memref<6144x128xf32, #tpu.memory_space<hbm>> -> memref<6144x128xf32, #tpu.memory_space<hbm>>
    tpu.wait_indirect_dma semaphore(%arg13 : memref<!tpu.dma_semaphore, #tpu.memory_space<semaphore_mem>>) src(%arg12 : memref<64x128xf32, #tpu.memory_space<vmem>>) dst(%dma_wait3A_18 : memref<6144x128xf32, #tpu.memory_space<hbm>>)
    "tpu.region"() ({
      %run_scoped3A = tpu.sem_alloc : memref<!tpu.dma_semaphore, #tpu.memory_space<semaphore_mem>>
      %dma_start3A_25 = arith.constant 0 : i32
      %dma_start3A_26 = tpu.memref_slice %arg6[%mul3A_2, %dma_start3A_25] : memref<2048x128xf32, #tpu.memory_space<hbm>> -> memref<64x128xf32, #tpu.memory_space<hbm>>
      %dma_start3A_27 = arith.constant 0 : i32
      %dma_start3A_28 = tpu.memref_slice %arg6[%mul3A_2, %dma_start3A_27] : memref<2048x128xf32, #tpu.memory_space<hbm>> -> memref<64x128xf32, #tpu.memory_space<hbm>>
      tpu.enqueue_dma source(%dma_start3A_28 : memref<64x128xf32, #tpu.memory_space<hbm>>) target(%arg12 : memref<64x128xf32, #tpu.memory_space<vmem>>) target_semaphore(%run_scoped3A : memref<!tpu.dma_semaphore, #tpu.memory_space<semaphore_mem>>)
      %dma_wait3A_29 = arith.constant 0 : i32
      %dma_wait3A_30 = tpu.memref_slice %arg6[%mul3A_2, %dma_wait3A_29] : memref<2048x128xf32, #tpu.memory_space<hbm>> -> memref<64x128xf32, #tpu.memory_space<hbm>>
      %dma_wait3A_31 = arith.constant 0 : i32
      %dma_wait3A_32 = tpu.memref_slice %arg6[%mul3A_2, %dma_wait3A_31] : memref<2048x128xf32, #tpu.memory_space<hbm>> -> memref<64x128xf32, #tpu.memory_space<hbm>>
      tpu.wait_dma2 semaphore(%run_scoped3A : memref<!tpu.dma_semaphore, #tpu.memory_space<semaphore_mem>>) src(%dma_wait3A_32 : memref<64x128xf32, #tpu.memory_space<hbm>>) dst(%arg12 : memref<64x128xf32, #tpu.memory_space<vmem>>)
      tpu.yield
    }) : () -> ()
    %dma_start3A_19 = arith.constant 0 : i32
    %dma_start3A_20 = arith.constant 0 : i32
    %dma_start3A_21 = tpu.memref_slice %arg8[%dma_start3A_19, %dma_start3A_20] : memref<6144x128xf32, #tpu.memory_space<hbm>> -> memref<6144x128xf32, #tpu.memory_space<hbm>>
    tpu.enqueue_indirect_dma source(%arg12 : memref<64x128xf32, #tpu.memory_space<vmem>>) target(%dma_start3A_21 : memref<6144x128xf32, #tpu.memory_space<hbm>>) offsets(%arg10 : memref<64xi32, #tpu.memory_space<vmem>>) semaphore(%arg13 : memref<!tpu.dma_semaphore, #tpu.memory_space<semaphore_mem>>)
    %dma_wait3A_22 = arith.constant 0 : i32
    %dma_wait3A_23 = arith.constant 0 : i32
    %dma_wait3A_24 = tpu.memref_slice %arg8[%dma_wait3A_22, %dma_wait3A_23] : memref<6144x128xf32, #tpu.memory_space<hbm>> -> memref<6144x128xf32, #tpu.memory_space<hbm>>
    tpu.wait_indirect_dma semaphore(%arg13 : memref<!tpu.dma_semaphore, #tpu.memory_space<semaphore_mem>>) src(%arg12 : memref<64x128xf32, #tpu.memory_space<vmem>>) dst(%dma_wait3A_24 : memref<6144x128xf32, #tpu.memory_space<hbm>>)
    return
  }
}

module attributes {stable_mosaic.version = 14 : i64} {
  func.func @_router_body(%arg0: memref<2048x1024xf32, #tpu.memory_space<vmem>>, %arg1: memref<8x1024xf32, #tpu.memory_space<vmem>>, %arg2: memref<2048x8xf32, #tpu.memory_space<vmem>>, %arg3: memref<2048x1xi32, #tpu.memory_space<vmem>>, %arg4: memref<2048x1xi32, #tpu.memory_space<vmem>>, %arg5: memref<2048x128xf32, #tpu.memory_space<vmem>>, %arg6: memref<2048x128xf32, #tpu.memory_space<vmem>>, %arg7: memref<24x1xi32, #tpu.memory_space<vmem>>, %arg8: memref<2048x8xf32, #tpu.memory_space<vmem>>, %arg9: memref<2048x8xf32, #tpu.memory_space<vmem>>, %arg10: memref<2048x8xf32, #tpu.memory_space<vmem>>, %arg11: memref<2048x8xf32, #tpu.memory_space<vmem>>) attributes {dimension_semantics = [], scalar_prefetch = 0 : i64, scratch_operands = 4 : i64, tpu.core_type = #tpu.core_type<tc>} {
    %get3A = arith.constant 0 : index
    %get3A_0 = arith.constant 0 : index
    %get3A_1 = vector.load %arg0[%get3A, %get3A_0] : memref<2048x1024xf32, #tpu.memory_space<vmem>>, vector<2048x1024xf32>
    %get3A_2 = arith.constant 0 : index
    %get3A_3 = arith.constant 0 : index
    %get3A_4 = vector.load %arg1[%get3A_2, %get3A_3] : memref<8x1024xf32, #tpu.memory_space<vmem>>, vector<8x1024xf32>
    %dot_general3A = arith.constant dense<0.000000e+00> : vector<2048x8xf32>
    %dot_general3A_5 = tpu.matmul %get3A_1, %get3A_4, %dot_general3A {dimension_numbers = #tpu.dot_dimension_numbers<[1], [1], [0], [0], [0, 0, 1, 0], [], []>, transpose_lhs_hint = false} : vector<2048x1024xf32>, vector<8x1024xf32>, vector<2048x8xf32> -> vector<2048x8xf32>
    %swap3A = arith.constant 0 : index
    %swap3A_6 = arith.constant 0 : index
    %swap3A_7 = vector.load %arg2[%swap3A, %swap3A_6] : memref<2048x8xf32, #tpu.memory_space<vmem>>, vector<2048x8xf32>
    tpu.vector_store %arg2[%swap3A, %swap3A_6], %dot_general3A_5 {strides = array<i32>} : memref<2048x8xf32, #tpu.memory_space<vmem>>, vector<2048x8xf32>,
    %reduce_max3A = arith.constant dense<0xFF800000> : vector<2048xf32>
    %reduce_max3A_8 = vector.multi_reduction <maximumf>, %dot_general3A_5, %reduce_max3A [1] : vector<2048x8xf32> to vector<2048xf32>
    %broadcast_in_dim3A = vector.shape_cast %reduce_max3A_8 : vector<2048xf32> to vector<2048x1xf32>
    %sub3A = vector.broadcast %broadcast_in_dim3A : vector<2048x1xf32> to vector<2048x8xf32>
    %sub3A_9 = arith.subf %dot_general3A_5, %sub3A : vector<2048x8xf32>
    %exp3A = math.exp %sub3A_9 : vector<2048x8xf32>
    %reduce_sum3A = arith.constant dense<0.000000e+00> : vector<2048xf32>
    %reduce_sum3A_10 = vector.multi_reduction <add>, %exp3A, %reduce_sum3A [1] : vector<2048x8xf32> to vector<2048xf32>
    %broadcast_in_dim3A_11 = vector.shape_cast %reduce_sum3A_10 : vector<2048xf32> to vector<2048x1xf32>
    %div3A = vector.broadcast %broadcast_in_dim3A_11 : vector<2048x1xf32> to vector<2048x8xf32>
    %div3A_12 = arith.divf %exp3A, %div3A : vector<2048x8xf32>
    %iota3A = tpu.iota {dimensions = array<i32: 1>} : vector<2048x8xi32>
    %reduce_max3A_13 = arith.constant dense<0xFF800000> : vector<2048xf32>
    %reduce_max3A_14 = vector.multi_reduction <maximumf>, %div3A_12, %reduce_max3A_13 [1] : vector<2048x8xf32> to vector<2048xf32>
    %broadcast_in_dim3A_15 = vector.shape_cast %reduce_max3A_14 : vector<2048xf32> to vector<2048x1xf32>
    %ge3A = vector.broadcast %broadcast_in_dim3A_15 : vector<2048x1xf32> to vector<2048x8xf32>
    %ge3A_16 = arith.cmpf oge, %div3A_12, %ge3A : vector<2048x8xf32>
    %jit3A = arith.constant 8 : i32
    %broadcast_in_dim3A_17 = vector.broadcast %jit3A : i32 to vector<2048x8xi32>
    %select_n3A = arith.select %ge3A_16, %iota3A, %broadcast_in_dim3A_17 : vector<2048x8xi1>, vector<2048x8xi32>
    %reduce_min3A = arith.constant dense<2147483647> : vector<2048xi32>
    %reduce_min3A_18 = vector.multi_reduction <minsi>, %select_n3A, %reduce_min3A [1] : vector<2048x8xi32> to vector<2048xi32>
    %broadcast_in_dim3A_19 = vector.shape_cast %reduce_min3A_18 : vector<2048xi32> to vector<2048x1xi32>
    %eq3A = vector.broadcast %broadcast_in_dim3A_19 : vector<2048x1xi32> to vector<2048x8xi32>
    %eq3A_20 = arith.cmpi eq, %iota3A, %eq3A : vector<2048x8xi32>
    %jit3A_21 = arith.constant -1.000000e+00 : f32
    %broadcast_in_dim3A_22 = vector.broadcast %jit3A_21 : f32 to vector<2048x8xf32>
    %select_n3A_23 = arith.select %eq3A_20, %broadcast_in_dim3A_22, %div3A_12 : vector<2048x8xi1>, vector<2048x8xf32>
    %reduce_max3A_24 = arith.constant dense<0xFF800000> : vector<2048xf32>
    %reduce_max3A_25 = vector.multi_reduction <maximumf>, %select_n3A_23, %reduce_max3A_24 [1] : vector<2048x8xf32> to vector<2048xf32>
    %broadcast_in_dim3A_26 = vector.shape_cast %reduce_max3A_25 : vector<2048xf32> to vector<2048x1xf32>
    %ge3A_27 = vector.broadcast %broadcast_in_dim3A_26 : vector<2048x1xf32> to vector<2048x8xf32>
    %ge3A_28 = arith.cmpf oge, %select_n3A_23, %ge3A_27 : vector<2048x8xf32>
    %jit3A_29 = arith.constant 8 : i32
    %broadcast_in_dim3A_30 = vector.broadcast %jit3A_29 : i32 to vector<2048x8xi32>
    %select_n3A_31 = arith.select %ge3A_28, %iota3A, %broadcast_in_dim3A_30 : vector<2048x8xi1>, vector<2048x8xi32>
    %reduce_min3A_32 = arith.constant dense<2147483647> : vector<2048xi32>
    %reduce_min3A_33 = vector.multi_reduction <minsi>, %select_n3A_31, %reduce_min3A_32 [1] : vector<2048x8xi32> to vector<2048xi32>
    %broadcast_in_dim3A_34 = vector.shape_cast %reduce_min3A_33 : vector<2048xi32> to vector<2048x1xi32>
    %eq3A_35 = vector.broadcast %broadcast_in_dim3A_34 : vector<2048x1xi32> to vector<2048x8xi32>
    %eq3A_36 = arith.cmpi eq, %iota3A, %eq3A_35 : vector<2048x8xi32>
    %add3A = arith.addf %broadcast_in_dim3A_15, %broadcast_in_dim3A_26 : vector<2048x1xf32>
    %div3A_37 = arith.divf %broadcast_in_dim3A_15, %add3A : vector<2048x1xf32>
    %broadcast_in_dim3A_38 = vector.shape_cast %div3A_37 : vector<2048x1xf32> to vector<2048x1xf32>
    %broadcast_in_dim3A_39 = vector.broadcast %broadcast_in_dim3A_38 : vector<2048x1xf32> to vector<2048x128xf32>
    %swap3A_40 = arith.constant 0 : index
    %swap3A_41 = arith.constant 0 : index
    %swap3A_42 = vector.load %arg5[%swap3A_40, %swap3A_41] : memref<2048x128xf32, #tpu.memory_space<vmem>>, vector<2048x128xf32>
    tpu.vector_store %arg5[%swap3A_40, %swap3A_41], %broadcast_in_dim3A_39 {strides = array<i32>} : memref<2048x128xf32, #tpu.memory_space<vmem>>, vector<2048x128xf32>,
    %div3A_43 = arith.divf %broadcast_in_dim3A_26, %add3A : vector<2048x1xf32>
    %broadcast_in_dim3A_44 = vector.shape_cast %div3A_43 : vector<2048x1xf32> to vector<2048x1xf32>
    %broadcast_in_dim3A_45 = vector.broadcast %broadcast_in_dim3A_44 : vector<2048x1xf32> to vector<2048x128xf32>
    %swap3A_46 = arith.constant 0 : index
    %swap3A_47 = arith.constant 0 : index
    %swap3A_48 = vector.load %arg6[%swap3A_46, %swap3A_47] : memref<2048x128xf32, #tpu.memory_space<vmem>>, vector<2048x128xf32>
    tpu.vector_store %arg6[%swap3A_46, %swap3A_47], %broadcast_in_dim3A_45 {strides = array<i32>} : memref<2048x128xf32, #tpu.memory_space<vmem>>, vector<2048x128xf32>,
    %convert_element_type3A = arith.extui %eq3A_20 : vector<2048x8xi1> to vector<2048x8xi32>
    %convert_element_type3A_49 = arith.sitofp %convert_element_type3A : vector<2048x8xi32> to vector<2048x8xf32>
    %convert_element_type3A_50 = arith.extui %eq3A_36 : vector<2048x8xi1> to vector<2048x8xi32>
    %convert_element_type3A_51 = arith.sitofp %convert_element_type3A_50 : vector<2048x8xi32> to vector<2048x8xf32>
    %swap3A_52 = arith.constant 0 : index
    %swap3A_53 = arith.constant 0 : index
    %swap3A_54 = vector.load %arg8[%swap3A_52, %swap3A_53] : memref<2048x8xf32, #tpu.memory_space<vmem>>, vector<2048x8xf32>
    tpu.vector_store %arg8[%swap3A_52, %swap3A_53], %convert_element_type3A_49 {strides = array<i32>} : memref<2048x8xf32, #tpu.memory_space<vmem>>, vector<2048x8xf32>,
    %swap3A_55 = arith.constant 0 : index
    %swap3A_56 = arith.constant 0 : index
    %swap3A_57 = vector.load %arg9[%swap3A_55, %swap3A_56] : memref<2048x8xf32, #tpu.memory_space<vmem>>, vector<2048x8xf32>
    tpu.vector_store %arg9[%swap3A_55, %swap3A_56], %convert_element_type3A_51 {strides = array<i32>} : memref<2048x8xf32, #tpu.memory_space<vmem>>, vector<2048x8xf32>,
    %iota3A_58 = tpu.iota {dimensions = array<i32: 0>} : vector<128x128xi32>
    %iota3A_59 = tpu.iota {dimensions = array<i32: 1>} : vector<128x128xi32>
    %lt3A = arith.cmpi slt, %iota3A_59, %iota3A_58 : vector<128x128xi32>
    %convert_element_type3A_60 = arith.extui %lt3A : vector<128x128xi1> to vector<128x128xi32>
    %convert_element_type3A_61 = arith.sitofp %convert_element_type3A_60 : vector<128x128xi32> to vector<128x128xf32>
    %broadcast_in_dim3A_62 = arith.constant 0.000000e+00 : f32
    %broadcast_in_dim3A_63 = vector.broadcast %broadcast_in_dim3A_62 : f32 to vector<1x8xf32>
    %scan3A = arith.constant 0 : i32
    %scan3A_64 = arith.constant 16 : i32
    %scan3A_65 = arith.addi %scan3A, %scan3A_64 : i32
    %scan3A_66 = arith.constant 1 : i32
    %scan3A_67:2 = scf.for %scan3A_126 = %scan3A to %scan3A_65 step %scan3A_66 iter_args(%scan3A_127 = %broadcast_in_dim3A_63, %scan3A_128 = %broadcast_in_dim3A_63) -> (vector<1x8xf32>, vector<1x8xf32>)  : i32 {
      %mul3A_129 = arith.constant 128 : i32
      %mul3A_130 = arith.muli %scan3A_126, %mul3A_129 : i32
      %get3A_131 = arith.index_cast %mul3A_130 : i32 to index
      %get3A_132 = arith.constant 0 : index
      %get3A_133 = vector.load %arg8[%get3A_131, %get3A_132] : memref<2048x8xf32, #tpu.memory_space<vmem>>, vector<128x8xf32>
      %mul3A_134 = arith.constant 128 : i32
      %mul3A_135 = arith.muli %scan3A_126, %mul3A_134 : i32
      %get3A_136 = arith.index_cast %mul3A_135 : i32 to index
      %get3A_137 = arith.constant 0 : index
      %get3A_138 = vector.load %arg9[%get3A_136, %get3A_137] : memref<2048x8xf32, #tpu.memory_space<vmem>>, vector<128x8xf32>
      %dot_general3A_139 = arith.constant dense<0.000000e+00> : vector<128x8xf32>
      %dot_general3A_140 = tpu.matmul %convert_element_type3A_61, %get3A_133, %dot_general3A_139 {dimension_numbers = #tpu.dot_dimension_numbers<[1], [0], [0], [1], [0, 0, 1, 1], [], []>, transpose_lhs_hint = false} : vector<128x128xf32>, vector<128x8xf32>, vector<128x8xf32> -> vector<128x8xf32>
      %add3A_141 = vector.broadcast %scan3A_127 : vector<1x8xf32> to vector<128x8xf32>
      %add3A_142 = arith.addf %add3A_141, %dot_general3A_140 : vector<128x8xf32>
      %mul3A_143 = arith.constant 128 : i32
      %mul3A_144 = arith.muli %scan3A_126, %mul3A_143 : i32
      %swap3A_145 = arith.index_cast %mul3A_144 : i32 to index
      %swap3A_146 = arith.constant 0 : index
      %swap3A_147 = vector.load %arg10[%swap3A_145, %swap3A_146] : memref<2048x8xf32, #tpu.memory_space<vmem>>, vector<128x8xf32>
      tpu.vector_store %arg10[%swap3A_145, %swap3A_146], %add3A_142 {strides = array<i32>} : memref<2048x8xf32, #tpu.memory_space<vmem>>, vector<128x8xf32>,
      %dot_general3A_148 = arith.constant dense<0.000000e+00> : vector<128x8xf32>
      %dot_general3A_149 = tpu.matmul %convert_element_type3A_61, %get3A_138, %dot_general3A_148 {dimension_numbers = #tpu.dot_dimension_numbers<[1], [0], [0], [1], [0, 0, 1, 1], [], []>, transpose_lhs_hint = false} : vector<128x128xf32>, vector<128x8xf32>, vector<128x8xf32> -> vector<128x8xf32>
      %add3A_150 = vector.broadcast %scan3A_128 : vector<1x8xf32> to vector<128x8xf32>
      %add3A_151 = arith.addf %add3A_150, %dot_general3A_149 : vector<128x8xf32>
      %mul3A_152 = arith.constant 128 : i32
      %mul3A_153 = arith.muli %scan3A_126, %mul3A_152 : i32
      %swap3A_154 = arith.index_cast %mul3A_153 : i32 to index
      %swap3A_155 = arith.constant 0 : index
      %swap3A_156 = vector.load %arg11[%swap3A_154, %swap3A_155] : memref<2048x8xf32, #tpu.memory_space<vmem>>, vector<128x8xf32>
      tpu.vector_store %arg11[%swap3A_154, %swap3A_155], %add3A_151 {strides = array<i32>} : memref<2048x8xf32, #tpu.memory_space<vmem>>, vector<128x8xf32>,
      %reduce_sum3A_157 = arith.constant dense<0.000000e+00> : vector<8xf32>
      %reduce_sum3A_158 = vector.multi_reduction <add>, %get3A_133, %reduce_sum3A_157 [0] : vector<128x8xf32> to vector<8xf32>
      %broadcast_in_dim3A_159 = vector.shape_cast %reduce_sum3A_158 : vector<8xf32> to vector<1x8xf32>
      %add3A_160 = arith.addf %scan3A_127, %broadcast_in_dim3A_159 : vector<1x8xf32>
      %reduce_sum3A_161 = arith.constant dense<0.000000e+00> : vector<8xf32>
      %reduce_sum3A_162 = vector.multi_reduction <add>, %get3A_138, %reduce_sum3A_161 [0] : vector<128x8xf32> to vector<8xf32>
      %broadcast_in_dim3A_163 = vector.shape_cast %reduce_sum3A_162 : vector<8xf32> to vector<1x8xf32>
      %add3A_164 = arith.addf %scan3A_128, %broadcast_in_dim3A_163 : vector<1x8xf32>
      scf.yield %add3A_160, %add3A_164 : vector<1x8xf32>, vector<1x8xf32>
    }
    %scan3A_68 = arith.constant 16 : i32
    %add3A_69 = arith.addf %scan3A_67#0, %scan3A_67#1 : vector<1x8xf32>
    %add3A_70 = arith.constant 2.550000e+02 : f32
    %add3A_71 = vector.broadcast %add3A_70 : f32 to vector<1x8xf32>
    %add3A_72 = arith.addf %add3A_69, %add3A_71 : vector<1x8xf32>
    %div3A_73 = arith.constant 2.560000e+02 : f32
    %div3A_74 = vector.broadcast %div3A_73 : f32 to vector<1x8xf32>
    %div3A_75 = arith.divf %add3A_72, %div3A_74 : vector<1x8xf32>
    %floor3A = math.floor %div3A_75 : vector<1x8xf32>
    %mul3A = arith.constant 2.560000e+02 : f32
    %mul3A_76 = vector.broadcast %mul3A : f32 to vector<1x8xf32>
    %mul3A_77 = arith.mulf %mul3A_76, %floor3A : vector<1x8xf32>
    %iota3A_78 = tpu.iota {dimensions = array<i32: 0>} : vector<8x8xi32>
    %iota3A_79 = tpu.iota {dimensions = array<i32: 1>} : vector<8x8xi32>
    %le3A = arith.cmpi sle, %iota3A_78, %iota3A_79 : vector<8x8xi32>
    %convert_element_type3A_80 = arith.extui %le3A : vector<8x8xi1> to vector<8x8xi32>
    %convert_element_type3A_81 = arith.sitofp %convert_element_type3A_80 : vector<8x8xi32> to vector<8x8xf32>
    %dot_general3A_82 = arith.constant dense<0.000000e+00> : vector<1x8xf32>
    %dot_general3A_83 = tpu.matmul %mul3A_77, %convert_element_type3A_81, %dot_general3A_82 {dimension_numbers = #tpu.dot_dimension_numbers<[1], [0], [0], [1], [0, 0, 1, 1], [], []>, transpose_lhs_hint = false} : vector<1x8xf32>, vector<8x8xf32>, vector<1x8xf32> -> vector<1x8xf32>
    %sub3A_84 = arith.subf %dot_general3A_83, %mul3A_77 : vector<1x8xf32>
    %get3A_85 = arith.constant 0 : index
    %get3A_86 = arith.constant 0 : index
    %get3A_87 = vector.load %arg10[%get3A_85, %get3A_86] : memref<2048x8xf32, #tpu.memory_space<vmem>>, vector<2048x8xf32>
    %add3A_88 = vector.broadcast %sub3A_84 : vector<1x8xf32> to vector<2048x8xf32>
    %add3A_89 = arith.addf %add3A_88, %get3A_87 : vector<2048x8xf32>
    %mul3A_90 = arith.mulf %convert_element_type3A_49, %add3A_89 : vector<2048x8xf32>
    %reduce_sum3A_91 = arith.constant dense<0.000000e+00> : vector<2048xf32>
    %reduce_sum3A_92 = vector.multi_reduction <add>, %mul3A_90, %reduce_sum3A_91 [1] : vector<2048x8xf32> to vector<2048xf32>
    %broadcast_in_dim3A_93 = vector.shape_cast %reduce_sum3A_92 : vector<2048xf32> to vector<2048x1xf32>
    %add3A_94 = arith.addf %sub3A_84, %scan3A_67#0 : vector<1x8xf32>
    %get3A_95 = arith.constant 0 : index
    %get3A_96 = arith.constant 0 : index
    %get3A_97 = vector.load %arg11[%get3A_95, %get3A_96] : memref<2048x8xf32, #tpu.memory_space<vmem>>, vector<2048x8xf32>
    %add3A_98 = vector.broadcast %add3A_94 : vector<1x8xf32> to vector<2048x8xf32>
    %add3A_99 = arith.addf %add3A_98, %get3A_97 : vector<2048x8xf32>
    %mul3A_100 = arith.mulf %convert_element_type3A_51, %add3A_99 : vector<2048x8xf32>
    %reduce_sum3A_101 = arith.constant dense<0.000000e+00> : vector<2048xf32>
    %reduce_sum3A_102 = vector.multi_reduction <add>, %mul3A_100, %reduce_sum3A_101 [1] : vector<2048x8xf32> to vector<2048xf32>
    %broadcast_in_dim3A_103 = vector.shape_cast %reduce_sum3A_102 : vector<2048xf32> to vector<2048x1xf32>
    %convert_element_type3A_104 = arith.fptosi %broadcast_in_dim3A_93 : vector<2048x1xf32> to vector<2048x1xi32>
    %swap3A_105 = arith.constant 0 : index
    %swap3A_106 = arith.constant 0 : index
    %swap3A_107 = vector.load %arg3[%swap3A_105, %swap3A_106] : memref<2048x1xi32, #tpu.memory_space<vmem>>, vector<2048x1xi32>
    tpu.vector_store %arg3[%swap3A_105, %swap3A_106], %convert_element_type3A_104 {strides = array<i32>} : memref<2048x1xi32, #tpu.memory_space<vmem>>, vector<2048x1xi32>,
    %convert_element_type3A_108 = arith.fptosi %broadcast_in_dim3A_103 : vector<2048x1xf32> to vector<2048x1xi32>
    %swap3A_109 = arith.constant 0 : index
    %swap3A_110 = arith.constant 0 : index
    %swap3A_111 = vector.load %arg4[%swap3A_109, %swap3A_110] : memref<2048x1xi32, #tpu.memory_space<vmem>>, vector<2048x1xi32>
    tpu.vector_store %arg4[%swap3A_109, %swap3A_110], %convert_element_type3A_108 {strides = array<i32>} : memref<2048x1xi32, #tpu.memory_space<vmem>>, vector<2048x1xi32>,
    %iota3A_112 = tpu.iota {dimensions = array<i32: 0>} : vector<24x8xi32>
    %convert_element_type3A_113 = arith.sitofp %iota3A_112 : vector<24x8xi32> to vector<24x8xf32>
    %mul3A_114 = arith.constant 2.560000e+02 : f32
    %mul3A_115 = vector.broadcast %mul3A_114 : f32 to vector<24x8xf32>
    %mul3A_116 = arith.mulf %convert_element_type3A_113, %mul3A_115 : vector<24x8xf32>
    %ge3A_117 = vector.broadcast %dot_general3A_83 : vector<1x8xf32> to vector<24x8xf32>
    %ge3A_118 = arith.cmpf oge, %mul3A_116, %ge3A_117 : vector<24x8xf32>
    %convert_element_type3A_119 = arith.extui %ge3A_118 : vector<24x8xi1> to vector<24x8xi32>
    %reduce_sum3A_120 = arith.constant dense<0> : vector<24xi32>
    %reduce_sum3A_121 = vector.multi_reduction <add>, %convert_element_type3A_119, %reduce_sum3A_120 [1] : vector<24x8xi32> to vector<24xi32>
    %broadcast_in_dim3A_122 = vector.shape_cast %reduce_sum3A_121 : vector<24xi32> to vector<24x1xi32>
    %swap3A_123 = arith.constant 0 : index
    %swap3A_124 = arith.constant 0 : index
    %swap3A_125 = vector.load %arg7[%swap3A_123, %swap3A_124] : memref<24x1xi32, #tpu.memory_space<vmem>>, vector<24x1xi32>
    tpu.vector_store %arg7[%swap3A_123, %swap3A_124], %broadcast_in_dim3A_122 {strides = array<i32>} : memref<24x1xi32, #tpu.memory_space<vmem>>, vector<24x1xi32>,
    return
  }
}

module attributes {stable_mosaic.version = 14 : i64} {
  func.func @_shared_body(%arg0: i32, %arg1: memref<256x1024xf32, #tpu.memory_space<vmem>>, %arg2: memref<1408x1024xf32, #tpu.memory_space<vmem>>, %arg3: memref<1408x1024xf32, #tpu.memory_space<vmem>>, %arg4: memref<1024x1408xf32, #tpu.memory_space<vmem>>, %arg5: memref<1x1024xf32, #tpu.memory_space<vmem>>, %arg6: memref<256x1024xf32, #tpu.memory_space<vmem>>) attributes {dimension_semantics = [#tpu.dimension_semantics<arbitrary>], iteration_bounds = array<i64: 8>, scalar_prefetch = 0 : i64, scratch_operands = 0 : i64, tpu.core_type = #tpu.core_type<tc>, window_params = [{transform_indices = @transform_0, window_bounds = array<i64: 256, 1024>}, {pipeline_mode = #tpu.pipeline_mode<synchronous>, transform_indices = @transform_1, window_bounds = array<i64: 1408, 1024>}, {pipeline_mode = #tpu.pipeline_mode<synchronous>, transform_indices = @transform_2, window_bounds = array<i64: 1408, 1024>}, {pipeline_mode = #tpu.pipeline_mode<synchronous>, transform_indices = @transform_3, window_bounds = array<i64: 1024, 1408>}, {pipeline_mode = #tpu.pipeline_mode<synchronous>, transform_indices = @transform_4, window_bounds = array<i64: 1, 1024>}, {transform_indices = @transform_5, window_bounds = array<i64: 256, 1024>}]} {
    %get3A = arith.constant 0 : index
    %get3A_0 = arith.constant 0 : index
    %get3A_1 = vector.load %arg1[%get3A, %get3A_0] : memref<256x1024xf32, #tpu.memory_space<vmem>>, vector<256x1024xf32>
    %get3A_2 = arith.constant 0 : index
    %get3A_3 = arith.constant 0 : index
    %get3A_4 = vector.load %arg2[%get3A_2, %get3A_3] : memref<1408x1024xf32, #tpu.memory_space<vmem>>, vector<1408x1024xf32>
    %dot_general3A = arith.constant dense<0.000000e+00> : vector<256x1408xf32>
    %dot_general3A_5 = tpu.matmul %get3A_1, %get3A_4, %dot_general3A {dimension_numbers = #tpu.dot_dimension_numbers<[1], [1], [0], [0], [0, 0, 1, 0], [], []>, transpose_lhs_hint = false} : vector<256x1024xf32>, vector<1408x1024xf32>, vector<256x1408xf32> -> vector<256x1408xf32>
    %get3A_6 = arith.constant 0 : index
    %get3A_7 = arith.constant 0 : index
    %get3A_8 = vector.load %arg3[%get3A_6, %get3A_7] : memref<1408x1024xf32, #tpu.memory_space<vmem>>, vector<1408x1024xf32>
    %dot_general3A_9 = arith.constant dense<0.000000e+00> : vector<256x1408xf32>
    %dot_general3A_10 = tpu.matmul %get3A_1, %get3A_8, %dot_general3A_9 {dimension_numbers = #tpu.dot_dimension_numbers<[1], [1], [0], [0], [0, 0, 1, 0], [], []>, transpose_lhs_hint = false} : vector<256x1024xf32>, vector<1408x1024xf32>, vector<256x1408xf32> -> vector<256x1408xf32>
    %logistic3A = arith.negf %dot_general3A_5 : vector<256x1408xf32>
    %logistic3A_11 = math.exp %logistic3A : vector<256x1408xf32>
    %logistic3A_12 = arith.constant 1.000000e+00 : f32
    %logistic3A_13 = vector.broadcast %logistic3A_12 : f32 to vector<256x1408xf32>
    %logistic3A_14 = arith.addf %logistic3A_13, %logistic3A_11 : vector<256x1408xf32>
    %logistic3A_15 = arith.divf %logistic3A_13, %logistic3A_14 : vector<256x1408xf32>
    %mul3A = arith.mulf %dot_general3A_5, %logistic3A_15 : vector<256x1408xf32>
    %mul3A_16 = arith.mulf %mul3A, %dot_general3A_10 : vector<256x1408xf32>
    %get3A_17 = arith.constant 0 : index
    %get3A_18 = arith.constant 0 : index
    %get3A_19 = vector.load %arg4[%get3A_17, %get3A_18] : memref<1024x1408xf32, #tpu.memory_space<vmem>>, vector<1024x1408xf32>
    %dot_general3A_20 = arith.constant dense<0.000000e+00> : vector<256x1024xf32>
    %dot_general3A_21 = tpu.matmul %mul3A_16, %get3A_19, %dot_general3A_20 {dimension_numbers = #tpu.dot_dimension_numbers<[1], [1], [0], [0], [0, 0, 1, 0], [], []>, transpose_lhs_hint = false} : vector<256x1408xf32>, vector<1024x1408xf32>, vector<256x1024xf32> -> vector<256x1024xf32>
    %get3A_22 = arith.constant 0 : index
    %get3A_23 = arith.constant 0 : index
    %get3A_24 = vector.load %arg5[%get3A_22, %get3A_23] : memref<1x1024xf32, #tpu.memory_space<vmem>>, vector<1x1024xf32>
    %dot_general3A_25 = arith.constant dense<0.000000e+00> : vector<256x1xf32>
    %dot_general3A_26 = tpu.matmul %get3A_1, %get3A_24, %dot_general3A_25 {dimension_numbers = #tpu.dot_dimension_numbers<[1], [1], [0], [0], [0, 0, 1, 0], [], []>, transpose_lhs_hint = false} : vector<256x1024xf32>, vector<1x1024xf32>, vector<256x1xf32> -> vector<256x1xf32>
    %logistic3A_27 = arith.negf %dot_general3A_26 : vector<256x1xf32>
    %logistic3A_28 = math.exp %logistic3A_27 : vector<256x1xf32>
    %logistic3A_29 = arith.constant 1.000000e+00 : f32
    %logistic3A_30 = vector.broadcast %logistic3A_29 : f32 to vector<256x1xf32>
    %logistic3A_31 = arith.addf %logistic3A_30, %logistic3A_28 : vector<256x1xf32>
    %logistic3A_32 = arith.divf %logistic3A_30, %logistic3A_31 : vector<256x1xf32>
    %mul3A_33 = vector.broadcast %logistic3A_32 : vector<256x1xf32> to vector<256x1024xf32>
    %mul3A_34 = arith.mulf %mul3A_33, %dot_general3A_21 : vector<256x1024xf32>
    %swap3A = arith.constant 0 : index
    %swap3A_35 = arith.constant 0 : index
    %swap3A_36 = vector.load %arg6[%swap3A, %swap3A_35] : memref<256x1024xf32, #tpu.memory_space<vmem>>, vector<256x1024xf32>
    tpu.vector_store %arg6[%swap3A, %swap3A_35], %mul3A_34 {strides = array<i32>} : memref<256x1024xf32, #tpu.memory_space<vmem>>, vector<256x1024xf32>,
    return
  }
  func.func @transform_0(%arg0: i32) -> (i32, i32) {
    %c0_i32 = arith.constant 0 : i32
    %c0_i32_0 = arith.constant 0 : i32
    return %arg0, %c0_i32 : i32, i32
  }
  func.func @transform_1(%arg0: i32) -> (i32, i32) {
    %c0_i32 = arith.constant 0 : i32
    %c0_i32_0 = arith.constant 0 : i32
    %c0_i32_1 = arith.constant 0 : i32
    return %c0_i32, %c0_i32_0 : i32, i32
  }
  func.func @transform_2(%arg0: i32) -> (i32, i32) {
    %c0_i32 = arith.constant 0 : i32
    %c0_i32_0 = arith.constant 0 : i32
    %c0_i32_1 = arith.constant 0 : i32
    return %c0_i32, %c0_i32_0 : i32, i32
  }
  func.func @transform_3(%arg0: i32) -> (i32, i32) {
    %c0_i32 = arith.constant 0 : i32
    %c0_i32_0 = arith.constant 0 : i32
    %c0_i32_1 = arith.constant 0 : i32
    return %c0_i32, %c0_i32_0 : i32, i32
  }
  func.func @transform_4(%arg0: i32) -> (i32, i32) {
    %c0_i32 = arith.constant 0 : i32
    %c0_i32_0 = arith.constant 0 : i32
    %c0_i32_1 = arith.constant 0 : i32
    return %c0_i32, %c0_i32_0 : i32, i32
  }
  func.func @transform_5(%arg0: i32) -> (i32, i32) {
    %c0_i32 = arith.constant 0 : i32
    %c0_i32_0 = arith.constant 0 : i32
    return %arg0, %c0_i32 : i32, i32
  }
}

module attributes {stable_mosaic.version = 14 : i64} {
  func.func @_moe_body(%arg0: i32, %arg1: memref<24xi32, #tpu.memory_space<smem>>, %arg2: memref<24xi32, #tpu.memory_space<smem>>, %arg3: memref<24xi32, #tpu.memory_space<smem>>, %arg4: memref<24xi32, #tpu.memory_space<smem>>, %arg5: memref<24xi32, #tpu.memory_space<smem>>, %arg6: memref<256x1024xf32, #tpu.memory_space<vmem>>, %arg7: memref<8x1408x1024xf32, #tpu.memory_space<hbm>>, %arg8: memref<8x1408x1024xf32, #tpu.memory_space<hbm>>, %arg9: memref<8x1024x1408xf32, #tpu.memory_space<hbm>>, %arg10: memref<256x128xf32, #tpu.memory_space<vmem>>, %arg11: memref<256x1024xf32, #tpu.memory_space<vmem>>, %arg12: memref<2x1408x1024xf32, #tpu.memory_space<vmem>>, %arg13: memref<2x1408x1024xf32, #tpu.memory_space<vmem>>, %arg14: memref<2x1024x1408xf32, #tpu.memory_space<vmem>>, %arg15: memref<2x!tpu.dma_semaphore, #tpu.memory_space<semaphore_mem>>, %arg16: memref<2x!tpu.dma_semaphore, #tpu.memory_space<semaphore_mem>>, %arg17: memref<2x!tpu.dma_semaphore, #tpu.memory_space<semaphore_mem>>) attributes {dimension_semantics = [#tpu.dimension_semantics<arbitrary>], iteration_bounds = array<i64: 24>, scalar_prefetch = 5 : i64, scratch_operands = 6 : i64, tpu.core_type = #tpu.core_type<tc>, window_params = [{transform_indices = @transform_0, window_bounds = array<i64: 256, 1024>}, {}, {}, {}, {transform_indices = @transform_4, window_bounds = array<i64: 256, 128>}, {transform_indices = @transform_5, window_bounds = array<i64: 256, 1024>}]} {
    %get3A = arith.index_cast %arg0 : i32 to index
    %get3A_0 = memref.load %arg1[%get3A] : memref<24xi32, #tpu.memory_space<smem>>
    %get3A_1 = arith.index_cast %arg0 : i32 to index
    %get3A_2 = memref.load %arg3[%get3A_1] : memref<24xi32, #tpu.memory_space<smem>>
    %get3A_3 = arith.index_cast %arg0 : i32 to index
    %get3A_4 = memref.load %arg4[%get3A_3] : memref<24xi32, #tpu.memory_space<smem>>
    %get3A_5 = arith.index_cast %arg0 : i32 to index
    %get3A_6 = memref.load %arg5[%get3A_5] : memref<24xi32, #tpu.memory_space<smem>>
    %eq3A = arith.constant 0 : i32
    %eq3A_7 = arith.cmpi eq, %arg0, %eq3A : i32
    %convert_element_type3A = arith.extui %eq3A_7 : i1 to i32
    %cond3A = arith.constant 0 : i32
    %cond3A_8 = arith.cmpi ne, %convert_element_type3A, %cond3A : i32
    scf.if %cond3A_8 {
      %dma_start3A = tpu.memref_slice %arg15[%get3A_2] : memref<2x!tpu.dma_semaphore, #tpu.memory_space<semaphore_mem>> -> memref<1x!tpu.dma_semaphore, #tpu.memory_space<semaphore_mem>>
      %dma_start3A_44 = tpu.memref_squeeze %dma_start3A : memref<1x!tpu.dma_semaphore, #tpu.memory_space<semaphore_mem>> -> memref<!tpu.dma_semaphore, #tpu.memory_space<semaphore_mem>>
      %dma_start3A_45 = arith.constant 0 : i32
      %dma_start3A_46 = arith.constant 0 : i32
      %dma_start3A_47 = tpu.memref_slice %arg12[%get3A_2, %dma_start3A_45, %dma_start3A_46] : memref<2x1408x1024xf32, #tpu.memory_space<vmem>> -> memref<1x1408x1024xf32, #tpu.memory_space<vmem>>
      %dma_start3A_48 = tpu.memref_squeeze %dma_start3A_47 : memref<1x1408x1024xf32, #tpu.memory_space<vmem>> -> memref<1408x1024xf32, #tpu.memory_space<vmem>>
      %dma_start3A_49 = arith.constant 0 : i32
      %dma_start3A_50 = arith.constant 0 : i32
      %dma_start3A_51 = tpu.memref_slice %arg7[%get3A_0, %dma_start3A_49, %dma_start3A_50] : memref<8x1408x1024xf32, #tpu.memory_space<hbm>> -> memref<1x1408x1024xf32, #tpu.memory_space<hbm>>
      %dma_start3A_52 = tpu.memref_squeeze %dma_start3A_51 : memref<1x1408x1024xf32, #tpu.memory_space<hbm>> -> memref<1408x1024xf32, #tpu.memory_space<hbm>>
      tpu.enqueue_dma source(%dma_start3A_52 : memref<1408x1024xf32, #tpu.memory_space<hbm>>) target(%dma_start3A_48 : memref<1408x1024xf32, #tpu.memory_space<vmem>>) target_semaphore(%dma_start3A_44 : memref<!tpu.dma_semaphore, #tpu.memory_space<semaphore_mem>>)
      %dma_start3A_53 = tpu.memref_slice %arg16[%get3A_2] : memref<2x!tpu.dma_semaphore, #tpu.memory_space<semaphore_mem>> -> memref<1x!tpu.dma_semaphore, #tpu.memory_space<semaphore_mem>>
      %dma_start3A_54 = tpu.memref_squeeze %dma_start3A_53 : memref<1x!tpu.dma_semaphore, #tpu.memory_space<semaphore_mem>> -> memref<!tpu.dma_semaphore, #tpu.memory_space<semaphore_mem>>
      %dma_start3A_55 = arith.constant 0 : i32
      %dma_start3A_56 = arith.constant 0 : i32
      %dma_start3A_57 = tpu.memref_slice %arg13[%get3A_2, %dma_start3A_55, %dma_start3A_56] : memref<2x1408x1024xf32, #tpu.memory_space<vmem>> -> memref<1x1408x1024xf32, #tpu.memory_space<vmem>>
      %dma_start3A_58 = tpu.memref_squeeze %dma_start3A_57 : memref<1x1408x1024xf32, #tpu.memory_space<vmem>> -> memref<1408x1024xf32, #tpu.memory_space<vmem>>
      %dma_start3A_59 = arith.constant 0 : i32
      %dma_start3A_60 = arith.constant 0 : i32
      %dma_start3A_61 = tpu.memref_slice %arg8[%get3A_0, %dma_start3A_59, %dma_start3A_60] : memref<8x1408x1024xf32, #tpu.memory_space<hbm>> -> memref<1x1408x1024xf32, #tpu.memory_space<hbm>>
      %dma_start3A_62 = tpu.memref_squeeze %dma_start3A_61 : memref<1x1408x1024xf32, #tpu.memory_space<hbm>> -> memref<1408x1024xf32, #tpu.memory_space<hbm>>
      tpu.enqueue_dma source(%dma_start3A_62 : memref<1408x1024xf32, #tpu.memory_space<hbm>>) target(%dma_start3A_58 : memref<1408x1024xf32, #tpu.memory_space<vmem>>) target_semaphore(%dma_start3A_54 : memref<!tpu.dma_semaphore, #tpu.memory_space<semaphore_mem>>)
      %dma_start3A_63 = tpu.memref_slice %arg17[%get3A_2] : memref<2x!tpu.dma_semaphore, #tpu.memory_space<semaphore_mem>> -> memref<1x!tpu.dma_semaphore, #tpu.memory_space<semaphore_mem>>
      %dma_start3A_64 = tpu.memref_squeeze %dma_start3A_63 : memref<1x!tpu.dma_semaphore, #tpu.memory_space<semaphore_mem>> -> memref<!tpu.dma_semaphore, #tpu.memory_space<semaphore_mem>>
      %dma_start3A_65 = arith.constant 0 : i32
      %dma_start3A_66 = arith.constant 0 : i32
      %dma_start3A_67 = tpu.memref_slice %arg14[%get3A_2, %dma_start3A_65, %dma_start3A_66] : memref<2x1024x1408xf32, #tpu.memory_space<vmem>> -> memref<1x1024x1408xf32, #tpu.memory_space<vmem>>
      %dma_start3A_68 = tpu.memref_squeeze %dma_start3A_67 : memref<1x1024x1408xf32, #tpu.memory_space<vmem>> -> memref<1024x1408xf32, #tpu.memory_space<vmem>>
      %dma_start3A_69 = arith.constant 0 : i32
      %dma_start3A_70 = arith.constant 0 : i32
      %dma_start3A_71 = tpu.memref_slice %arg9[%get3A_0, %dma_start3A_69, %dma_start3A_70] : memref<8x1024x1408xf32, #tpu.memory_space<hbm>> -> memref<1x1024x1408xf32, #tpu.memory_space<hbm>>
      %dma_start3A_72 = tpu.memref_squeeze %dma_start3A_71 : memref<1x1024x1408xf32, #tpu.memory_space<hbm>> -> memref<1024x1408xf32, #tpu.memory_space<hbm>>
      tpu.enqueue_dma source(%dma_start3A_72 : memref<1024x1408xf32, #tpu.memory_space<hbm>>) target(%dma_start3A_68 : memref<1024x1408xf32, #tpu.memory_space<vmem>>) target_semaphore(%dma_start3A_64 : memref<!tpu.dma_semaphore, #tpu.memory_space<semaphore_mem>>)
    } else {
    }
    %get3A_9 = arith.index_cast %arg0 : i32 to index
    %get3A_10 = memref.load %arg2[%get3A_9] : memref<24xi32, #tpu.memory_space<smem>>
    %eq3A_11 = arith.constant 1 : i32
    %eq3A_12 = arith.cmpi eq, %get3A_10, %eq3A_11 : i32
    %lt3A = arith.constant 8 : i32
    %lt3A_13 = arith.cmpi slt, %get3A_4, %lt3A : i32
    %and3A = arith.andi %eq3A_12, %lt3A_13 : i1
    %convert_element_type3A_14 = arith.extui %and3A : i1 to i32
    %cond3A_15 = arith.constant 0 : i32
    %cond3A_16 = arith.cmpi ne, %convert_element_type3A_14, %cond3A_15 : i32
    scf.if %cond3A_16 {
      %dma_start3A = tpu.memref_slice %arg15[%get3A_6] : memref<2x!tpu.dma_semaphore, #tpu.memory_space<semaphore_mem>> -> memref<1x!tpu.dma_semaphore, #tpu.memory_space<semaphore_mem>>
      %dma_start3A_44 = tpu.memref_squeeze %dma_start3A : memref<1x!tpu.dma_semaphore, #tpu.memory_space<semaphore_mem>> -> memref<!tpu.dma_semaphore, #tpu.memory_space<semaphore_mem>>
      %dma_start3A_45 = arith.constant 0 : i32
      %dma_start3A_46 = arith.constant 0 : i32
      %dma_start3A_47 = tpu.memref_slice %arg12[%get3A_6, %dma_start3A_45, %dma_start3A_46] : memref<2x1408x1024xf32, #tpu.memory_space<vmem>> -> memref<1x1408x1024xf32, #tpu.memory_space<vmem>>
      %dma_start3A_48 = tpu.memref_squeeze %dma_start3A_47 : memref<1x1408x1024xf32, #tpu.memory_space<vmem>> -> memref<1408x1024xf32, #tpu.memory_space<vmem>>
      %dma_start3A_49 = arith.constant 0 : i32
      %dma_start3A_50 = arith.constant 0 : i32
      %dma_start3A_51 = tpu.memref_slice %arg7[%get3A_4, %dma_start3A_49, %dma_start3A_50] : memref<8x1408x1024xf32, #tpu.memory_space<hbm>> -> memref<1x1408x1024xf32, #tpu.memory_space<hbm>>
      %dma_start3A_52 = tpu.memref_squeeze %dma_start3A_51 : memref<1x1408x1024xf32, #tpu.memory_space<hbm>> -> memref<1408x1024xf32, #tpu.memory_space<hbm>>
      tpu.enqueue_dma source(%dma_start3A_52 : memref<1408x1024xf32, #tpu.memory_space<hbm>>) target(%dma_start3A_48 : memref<1408x1024xf32, #tpu.memory_space<vmem>>) target_semaphore(%dma_start3A_44 : memref<!tpu.dma_semaphore, #tpu.memory_space<semaphore_mem>>)
      %dma_start3A_53 = tpu.memref_slice %arg16[%get3A_6] : memref<2x!tpu.dma_semaphore, #tpu.memory_space<semaphore_mem>> -> memref<1x!tpu.dma_semaphore, #tpu.memory_space<semaphore_mem>>
      %dma_start3A_54 = tpu.memref_squeeze %dma_start3A_53 : memref<1x!tpu.dma_semaphore, #tpu.memory_space<semaphore_mem>> -> memref<!tpu.dma_semaphore, #tpu.memory_space<semaphore_mem>>
      %dma_start3A_55 = arith.constant 0 : i32
      %dma_start3A_56 = arith.constant 0 : i32
      %dma_start3A_57 = tpu.memref_slice %arg13[%get3A_6, %dma_start3A_55, %dma_start3A_56] : memref<2x1408x1024xf32, #tpu.memory_space<vmem>> -> memref<1x1408x1024xf32, #tpu.memory_space<vmem>>
      %dma_start3A_58 = tpu.memref_squeeze %dma_start3A_57 : memref<1x1408x1024xf32, #tpu.memory_space<vmem>> -> memref<1408x1024xf32, #tpu.memory_space<vmem>>
      %dma_start3A_59 = arith.constant 0 : i32
      %dma_start3A_60 = arith.constant 0 : i32
      %dma_start3A_61 = tpu.memref_slice %arg8[%get3A_4, %dma_start3A_59, %dma_start3A_60] : memref<8x1408x1024xf32, #tpu.memory_space<hbm>> -> memref<1x1408x1024xf32, #tpu.memory_space<hbm>>
      %dma_start3A_62 = tpu.memref_squeeze %dma_start3A_61 : memref<1x1408x1024xf32, #tpu.memory_space<hbm>> -> memref<1408x1024xf32, #tpu.memory_space<hbm>>
      tpu.enqueue_dma source(%dma_start3A_62 : memref<1408x1024xf32, #tpu.memory_space<hbm>>) target(%dma_start3A_58 : memref<1408x1024xf32, #tpu.memory_space<vmem>>) target_semaphore(%dma_start3A_54 : memref<!tpu.dma_semaphore, #tpu.memory_space<semaphore_mem>>)
      %dma_start3A_63 = tpu.memref_slice %arg17[%get3A_6] : memref<2x!tpu.dma_semaphore, #tpu.memory_space<semaphore_mem>> -> memref<1x!tpu.dma_semaphore, #tpu.memory_space<semaphore_mem>>
      %dma_start3A_64 = tpu.memref_squeeze %dma_start3A_63 : memref<1x!tpu.dma_semaphore, #tpu.memory_space<semaphore_mem>> -> memref<!tpu.dma_semaphore, #tpu.memory_space<semaphore_mem>>
      %dma_start3A_65 = arith.constant 0 : i32
      %dma_start3A_66 = arith.constant 0 : i32
      %dma_start3A_67 = tpu.memref_slice %arg14[%get3A_6, %dma_start3A_65, %dma_start3A_66] : memref<2x1024x1408xf32, #tpu.memory_space<vmem>> -> memref<1x1024x1408xf32, #tpu.memory_space<vmem>>
      %dma_start3A_68 = tpu.memref_squeeze %dma_start3A_67 : memref<1x1024x1408xf32, #tpu.memory_space<vmem>> -> memref<1024x1408xf32, #tpu.memory_space<vmem>>
      %dma_start3A_69 = arith.constant 0 : i32
      %dma_start3A_70 = arith.constant 0 : i32
      %dma_start3A_71 = tpu.memref_slice %arg9[%get3A_4, %dma_start3A_69, %dma_start3A_70] : memref<8x1024x1408xf32, #tpu.memory_space<hbm>> -> memref<1x1024x1408xf32, #tpu.memory_space<hbm>>
      %dma_start3A_72 = tpu.memref_squeeze %dma_start3A_71 : memref<1x1024x1408xf32, #tpu.memory_space<hbm>> -> memref<1024x1408xf32, #tpu.memory_space<hbm>>
      tpu.enqueue_dma source(%dma_start3A_72 : memref<1024x1408xf32, #tpu.memory_space<hbm>>) target(%dma_start3A_68 : memref<1024x1408xf32, #tpu.memory_space<vmem>>) target_semaphore(%dma_start3A_64 : memref<!tpu.dma_semaphore, #tpu.memory_space<semaphore_mem>>)
    } else {
    }
    %get3A_17 = arith.index_cast %arg0 : i32 to index
    %get3A_18 = memref.load %arg2[%get3A_17] : memref<24xi32, #tpu.memory_space<smem>>
    %eq3A_19 = arith.constant 1 : i32
    %eq3A_20 = arith.cmpi eq, %get3A_18, %eq3A_19 : i32
    %convert_element_type3A_21 = arith.extui %eq3A_20 : i1 to i32
    %cond3A_22 = arith.constant 0 : i32
    %cond3A_23 = arith.cmpi ne, %convert_element_type3A_21, %cond3A_22 : i32
    scf.if %cond3A_23 {
      %dma_wait3A = tpu.memref_slice %arg15[%get3A_2] : memref<2x!tpu.dma_semaphore, #tpu.memory_space<semaphore_mem>> -> memref<1x!tpu.dma_semaphore, #tpu.memory_space<semaphore_mem>>
      %dma_wait3A_44 = tpu.memref_squeeze %dma_wait3A : memref<1x!tpu.dma_semaphore, #tpu.memory_space<semaphore_mem>> -> memref<!tpu.dma_semaphore, #tpu.memory_space<semaphore_mem>>
      %dma_wait3A_45 = arith.constant 0 : i32
      %dma_wait3A_46 = arith.constant 0 : i32
      %dma_wait3A_47 = tpu.memref_slice %arg12[%get3A_2, %dma_wait3A_45, %dma_wait3A_46] : memref<2x1408x1024xf32, #tpu.memory_space<vmem>> -> memref<1x1408x1024xf32, #tpu.memory_space<vmem>>
      %dma_wait3A_48 = tpu.memref_squeeze %dma_wait3A_47 : memref<1x1408x1024xf32, #tpu.memory_space<vmem>> -> memref<1408x1024xf32, #tpu.memory_space<vmem>>
      %dma_wait3A_49 = arith.constant 0 : i32
      %dma_wait3A_50 = arith.constant 0 : i32
      %dma_wait3A_51 = tpu.memref_slice %arg7[%get3A_0, %dma_wait3A_49, %dma_wait3A_50] : memref<8x1408x1024xf32, #tpu.memory_space<hbm>> -> memref<1x1408x1024xf32, #tpu.memory_space<hbm>>
      %dma_wait3A_52 = tpu.memref_squeeze %dma_wait3A_51 : memref<1x1408x1024xf32, #tpu.memory_space<hbm>> -> memref<1408x1024xf32, #tpu.memory_space<hbm>>
      tpu.wait_dma2 semaphore(%dma_wait3A_44 : memref<!tpu.dma_semaphore, #tpu.memory_space<semaphore_mem>>) src(%dma_wait3A_52 : memref<1408x1024xf32, #tpu.memory_space<hbm>>) dst(%dma_wait3A_48 : memref<1408x1024xf32, #tpu.memory_space<vmem>>)
      %dma_wait3A_53 = tpu.memref_slice %arg16[%get3A_2] : memref<2x!tpu.dma_semaphore, #tpu.memory_space<semaphore_mem>> -> memref<1x!tpu.dma_semaphore, #tpu.memory_space<semaphore_mem>>
      %dma_wait3A_54 = tpu.memref_squeeze %dma_wait3A_53 : memref<1x!tpu.dma_semaphore, #tpu.memory_space<semaphore_mem>> -> memref<!tpu.dma_semaphore, #tpu.memory_space<semaphore_mem>>
      %dma_wait3A_55 = arith.constant 0 : i32
      %dma_wait3A_56 = arith.constant 0 : i32
      %dma_wait3A_57 = tpu.memref_slice %arg13[%get3A_2, %dma_wait3A_55, %dma_wait3A_56] : memref<2x1408x1024xf32, #tpu.memory_space<vmem>> -> memref<1x1408x1024xf32, #tpu.memory_space<vmem>>
      %dma_wait3A_58 = tpu.memref_squeeze %dma_wait3A_57 : memref<1x1408x1024xf32, #tpu.memory_space<vmem>> -> memref<1408x1024xf32, #tpu.memory_space<vmem>>
      %dma_wait3A_59 = arith.constant 0 : i32
      %dma_wait3A_60 = arith.constant 0 : i32
      %dma_wait3A_61 = tpu.memref_slice %arg8[%get3A_0, %dma_wait3A_59, %dma_wait3A_60] : memref<8x1408x1024xf32, #tpu.memory_space<hbm>> -> memref<1x1408x1024xf32, #tpu.memory_space<hbm>>
      %dma_wait3A_62 = tpu.memref_squeeze %dma_wait3A_61 : memref<1x1408x1024xf32, #tpu.memory_space<hbm>> -> memref<1408x1024xf32, #tpu.memory_space<hbm>>
      tpu.wait_dma2 semaphore(%dma_wait3A_54 : memref<!tpu.dma_semaphore, #tpu.memory_space<semaphore_mem>>) src(%dma_wait3A_62 : memref<1408x1024xf32, #tpu.memory_space<hbm>>) dst(%dma_wait3A_58 : memref<1408x1024xf32, #tpu.memory_space<vmem>>)
      %dma_wait3A_63 = tpu.memref_slice %arg17[%get3A_2] : memref<2x!tpu.dma_semaphore, #tpu.memory_space<semaphore_mem>> -> memref<1x!tpu.dma_semaphore, #tpu.memory_space<semaphore_mem>>
      %dma_wait3A_64 = tpu.memref_squeeze %dma_wait3A_63 : memref<1x!tpu.dma_semaphore, #tpu.memory_space<semaphore_mem>> -> memref<!tpu.dma_semaphore, #tpu.memory_space<semaphore_mem>>
      %dma_wait3A_65 = arith.constant 0 : i32
      %dma_wait3A_66 = arith.constant 0 : i32
      %dma_wait3A_67 = tpu.memref_slice %arg14[%get3A_2, %dma_wait3A_65, %dma_wait3A_66] : memref<2x1024x1408xf32, #tpu.memory_space<vmem>> -> memref<1x1024x1408xf32, #tpu.memory_space<vmem>>
      %dma_wait3A_68 = tpu.memref_squeeze %dma_wait3A_67 : memref<1x1024x1408xf32, #tpu.memory_space<vmem>> -> memref<1024x1408xf32, #tpu.memory_space<vmem>>
      %dma_wait3A_69 = arith.constant 0 : i32
      %dma_wait3A_70 = arith.constant 0 : i32
      %dma_wait3A_71 = tpu.memref_slice %arg9[%get3A_0, %dma_wait3A_69, %dma_wait3A_70] : memref<8x1024x1408xf32, #tpu.memory_space<hbm>> -> memref<1x1024x1408xf32, #tpu.memory_space<hbm>>
      %dma_wait3A_72 = tpu.memref_squeeze %dma_wait3A_71 : memref<1x1024x1408xf32, #tpu.memory_space<hbm>> -> memref<1024x1408xf32, #tpu.memory_space<hbm>>
      tpu.wait_dma2 semaphore(%dma_wait3A_64 : memref<!tpu.dma_semaphore, #tpu.memory_space<semaphore_mem>>) src(%dma_wait3A_72 : memref<1024x1408xf32, #tpu.memory_space<hbm>>) dst(%dma_wait3A_68 : memref<1024x1408xf32, #tpu.memory_space<vmem>>)
    } else {
    }
    %get3A_24 = arith.index_cast %arg0 : i32 to index
    %get3A_25 = memref.load %arg1[%get3A_24] : memref<24xi32, #tpu.memory_space<smem>>
    %lt3A_26 = arith.constant 8 : i32
    %lt3A_27 = arith.cmpi slt, %get3A_25, %lt3A_26 : i32
    %eq3A_28 = arith.constant 0 : i32
    %eq3A_29 = arith.cmpi eq, %get3A_2, %eq3A_28 : i32
    %and3A_30 = arith.andi %lt3A_27, %eq3A_29 : i1
    %convert_element_type3A_31 = arith.extui %and3A_30 : i1 to i32
    %cond3A_32 = arith.constant 0 : i32
    %cond3A_33 = arith.cmpi ne, %convert_element_type3A_31, %cond3A_32 : i32
    scf.if %cond3A_33 {
      %get3A_44 = arith.constant 0 : index
      %get3A_45 = arith.constant 0 : index
      %get3A_46 = vector.load %arg6[%get3A_44, %get3A_45] : memref<256x1024xf32, #tpu.memory_space<vmem>>, vector<256x1024xf32>
      %get3A_47 = arith.constant 0 : index
      %get3A_48 = arith.constant 0 : index
      %get3A_49 = arith.constant 0 : index
      %get3A_50 = vector.load %arg12[%get3A_47, %get3A_48, %get3A_49] : memref<2x1408x1024xf32, #tpu.memory_space<vmem>>, vector<1x1408x1024xf32>
      %get3A_51 = vector.shape_cast %get3A_50 : vector<1x1408x1024xf32> to vector<1408x1024xf32>
      %dot_general3A = arith.constant dense<0.000000e+00> : vector<256x1408xf32>
      %dot_general3A_52 = tpu.matmul %get3A_46, %get3A_51, %dot_general3A {dimension_numbers = #tpu.dot_dimension_numbers<[1], [1], [0], [0], [0, 0, 1, 0], [], []>, transpose_lhs_hint = false} : vector<256x1024xf32>, vector<1408x1024xf32>, vector<256x1408xf32> -> vector<256x1408xf32>
      %get3A_53 = arith.constant 0 : index
      %get3A_54 = arith.constant 0 : index
      %get3A_55 = arith.constant 0 : index
      %get3A_56 = vector.load %arg13[%get3A_53, %get3A_54, %get3A_55] : memref<2x1408x1024xf32, #tpu.memory_space<vmem>>, vector<1x1408x1024xf32>
      %get3A_57 = vector.shape_cast %get3A_56 : vector<1x1408x1024xf32> to vector<1408x1024xf32>
      %dot_general3A_58 = arith.constant dense<0.000000e+00> : vector<256x1408xf32>
      %dot_general3A_59 = tpu.matmul %get3A_46, %get3A_57, %dot_general3A_58 {dimension_numbers = #tpu.dot_dimension_numbers<[1], [1], [0], [0], [0, 0, 1, 0], [], []>, transpose_lhs_hint = false} : vector<256x1024xf32>, vector<1408x1024xf32>, vector<256x1408xf32> -> vector<256x1408xf32>
      %logistic3A = arith.negf %dot_general3A_52 : vector<256x1408xf32>
      %logistic3A_60 = math.exp %logistic3A : vector<256x1408xf32>
      %logistic3A_61 = arith.constant 1.000000e+00 : f32
      %logistic3A_62 = vector.broadcast %logistic3A_61 : f32 to vector<256x1408xf32>
      %logistic3A_63 = arith.addf %logistic3A_62, %logistic3A_60 : vector<256x1408xf32>
      %logistic3A_64 = arith.divf %logistic3A_62, %logistic3A_63 : vector<256x1408xf32>
      %mul3A = arith.mulf %dot_general3A_52, %logistic3A_64 : vector<256x1408xf32>
      %mul3A_65 = arith.mulf %mul3A, %dot_general3A_59 : vector<256x1408xf32>
      %get3A_66 = arith.constant 0 : index
      %get3A_67 = arith.constant 0 : index
      %get3A_68 = arith.constant 0 : index
      %get3A_69 = vector.load %arg14[%get3A_66, %get3A_67, %get3A_68] : memref<2x1024x1408xf32, #tpu.memory_space<vmem>>, vector<1x1024x1408xf32>
      %get3A_70 = vector.shape_cast %get3A_69 : vector<1x1024x1408xf32> to vector<1024x1408xf32>
      %dot_general3A_71 = arith.constant dense<0.000000e+00> : vector<256x1024xf32>
      %dot_general3A_72 = tpu.matmul %mul3A_65, %get3A_70, %dot_general3A_71 {dimension_numbers = #tpu.dot_dimension_numbers<[1], [1], [0], [0], [0, 0, 1, 0], [], []>, transpose_lhs_hint = false} : vector<256x1408xf32>, vector<1024x1408xf32>, vector<256x1024xf32> -> vector<256x1024xf32>
      %get3A_73 = arith.constant 0 : index
      %get3A_74 = arith.constant 0 : index
      %get3A_75 = vector.load %arg10[%get3A_73, %get3A_74] : memref<256x128xf32, #tpu.memory_space<vmem>>, vector<256x1xf32>
      %mul3A_76 = vector.broadcast %get3A_75 : vector<256x1xf32> to vector<256x1024xf32>
      %mul3A_77 = arith.mulf %dot_general3A_72, %mul3A_76 : vector<256x1024xf32>
      %swap3A = arith.constant 0 : index
      %swap3A_78 = arith.constant 0 : index
      %swap3A_79 = vector.load %arg11[%swap3A, %swap3A_78] : memref<256x1024xf32, #tpu.memory_space<vmem>>, vector<256x1024xf32>
      tpu.vector_store %arg11[%swap3A, %swap3A_78], %mul3A_77 {strides = array<i32>} : memref<256x1024xf32, #tpu.memory_space<vmem>>, vector<256x1024xf32>,
    } else {
    }
    %get3A_34 = arith.index_cast %arg0 : i32 to index
    %get3A_35 = memref.load %arg1[%get3A_34] : memref<24xi32, #tpu.memory_space<smem>>
    %lt3A_36 = arith.constant 8 : i32
    %lt3A_37 = arith.cmpi slt, %get3A_35, %lt3A_36 : i32
    %eq3A_38 = arith.constant 1 : i32
    %eq3A_39 = arith.cmpi eq, %get3A_2, %eq3A_38 : i32
    %and3A_40 = arith.andi %lt3A_37, %eq3A_39 : i1
    %convert_element_type3A_41 = arith.extui %and3A_40 : i1 to i32
    %cond3A_42 = arith.constant 0 : i32
    %cond3A_43 = arith.cmpi ne, %convert_element_type3A_41, %cond3A_42 : i32
    scf.if %cond3A_43 {
      %get3A_44 = arith.constant 0 : index
      %get3A_45 = arith.constant 0 : index
      %get3A_46 = vector.load %arg6[%get3A_44, %get3A_45] : memref<256x1024xf32, #tpu.memory_space<vmem>>, vector<256x1024xf32>
      %get3A_47 = arith.constant 1 : index
      %get3A_48 = arith.constant 0 : index
      %get3A_49 = arith.constant 0 : index
      %get3A_50 = vector.load %arg12[%get3A_47, %get3A_48, %get3A_49] : memref<2x1408x1024xf32, #tpu.memory_space<vmem>>, vector<1x1408x1024xf32>
      %get3A_51 = vector.shape_cast %get3A_50 : vector<1x1408x1024xf32> to vector<1408x1024xf32>
      %dot_general3A = arith.constant dense<0.000000e+00> : vector<256x1408xf32>
      %dot_general3A_52 = tpu.matmul %get3A_46, %get3A_51, %dot_general3A {dimension_numbers = #tpu.dot_dimension_numbers<[1], [1], [0], [0], [0, 0, 1, 0], [], []>, transpose_lhs_hint = false} : vector<256x1024xf32>, vector<1408x1024xf32>, vector<256x1408xf32> -> vector<256x1408xf32>
      %get3A_53 = arith.constant 1 : index
      %get3A_54 = arith.constant 0 : index
      %get3A_55 = arith.constant 0 : index
      %get3A_56 = vector.load %arg13[%get3A_53, %get3A_54, %get3A_55] : memref<2x1408x1024xf32, #tpu.memory_space<vmem>>, vector<1x1408x1024xf32>
      %get3A_57 = vector.shape_cast %get3A_56 : vector<1x1408x1024xf32> to vector<1408x1024xf32>
      %dot_general3A_58 = arith.constant dense<0.000000e+00> : vector<256x1408xf32>
      %dot_general3A_59 = tpu.matmul %get3A_46, %get3A_57, %dot_general3A_58 {dimension_numbers = #tpu.dot_dimension_numbers<[1], [1], [0], [0], [0, 0, 1, 0], [], []>, transpose_lhs_hint = false} : vector<256x1024xf32>, vector<1408x1024xf32>, vector<256x1408xf32> -> vector<256x1408xf32>
      %logistic3A = arith.negf %dot_general3A_52 : vector<256x1408xf32>
      %logistic3A_60 = math.exp %logistic3A : vector<256x1408xf32>
      %logistic3A_61 = arith.constant 1.000000e+00 : f32
      %logistic3A_62 = vector.broadcast %logistic3A_61 : f32 to vector<256x1408xf32>
      %logistic3A_63 = arith.addf %logistic3A_62, %logistic3A_60 : vector<256x1408xf32>
      %logistic3A_64 = arith.divf %logistic3A_62, %logistic3A_63 : vector<256x1408xf32>
      %mul3A = arith.mulf %dot_general3A_52, %logistic3A_64 : vector<256x1408xf32>
      %mul3A_65 = arith.mulf %mul3A, %dot_general3A_59 : vector<256x1408xf32>
      %get3A_66 = arith.constant 1 : index
      %get3A_67 = arith.constant 0 : index
      %get3A_68 = arith.constant 0 : index
      %get3A_69 = vector.load %arg14[%get3A_66, %get3A_67, %get3A_68] : memref<2x1024x1408xf32, #tpu.memory_space<vmem>>, vector<1x1024x1408xf32>
      %get3A_70 = vector.shape_cast %get3A_69 : vector<1x1024x1408xf32> to vector<1024x1408xf32>
      %dot_general3A_71 = arith.constant dense<0.000000e+00> : vector<256x1024xf32>
      %dot_general3A_72 = tpu.matmul %mul3A_65, %get3A_70, %dot_general3A_71 {dimension_numbers = #tpu.dot_dimension_numbers<[1], [1], [0], [0], [0, 0, 1, 0], [], []>, transpose_lhs_hint = false} : vector<256x1408xf32>, vector<1024x1408xf32>, vector<256x1024xf32> -> vector<256x1024xf32>
      %get3A_73 = arith.constant 0 : index
      %get3A_74 = arith.constant 0 : index
      %get3A_75 = vector.load %arg10[%get3A_73, %get3A_74] : memref<256x128xf32, #tpu.memory_space<vmem>>, vector<256x1xf32>
      %mul3A_76 = vector.broadcast %get3A_75 : vector<256x1xf32> to vector<256x1024xf32>
      %mul3A_77 = arith.mulf %dot_general3A_72, %mul3A_76 : vector<256x1024xf32>
      %swap3A = arith.constant 0 : index
      %swap3A_78 = arith.constant 0 : index
      %swap3A_79 = vector.load %arg11[%swap3A, %swap3A_78] : memref<256x1024xf32, #tpu.memory_space<vmem>>, vector<256x1024xf32>
      tpu.vector_store %arg11[%swap3A, %swap3A_78], %mul3A_77 {strides = array<i32>} : memref<256x1024xf32, #tpu.memory_space<vmem>>, vector<256x1024xf32>,
    } else {
    }
    return
  }
  func.func @transform_0(%arg0: i32, %arg1: memref<24xi32, #tpu.memory_space<smem>>, %arg2: memref<24xi32, #tpu.memory_space<smem>>, %arg3: memref<24xi32, #tpu.memory_space<smem>>, %arg4: memref<24xi32, #tpu.memory_space<smem>>, %arg5: memref<24xi32, #tpu.memory_space<smem>>) -> (i32, i32) {
    %c0_i32 = arith.constant 0 : i32
    %c0_i32_0 = arith.constant 0 : i32
    return %arg0, %c0_i32 : i32, i32
  }
  func.func @transform_4(%arg0: i32, %arg1: memref<24xi32, #tpu.memory_space<smem>>, %arg2: memref<24xi32, #tpu.memory_space<smem>>, %arg3: memref<24xi32, #tpu.memory_space<smem>>, %arg4: memref<24xi32, #tpu.memory_space<smem>>, %arg5: memref<24xi32, #tpu.memory_space<smem>>) -> (i32, i32) {
    %c0_i32 = arith.constant 0 : i32
    %c0_i32_0 = arith.constant 0 : i32
    return %arg0, %c0_i32 : i32, i32
  }
  func.func @transform_5(%arg0: i32, %arg1: memref<24xi32, #tpu.memory_space<smem>>, %arg2: memref<24xi32, #tpu.memory_space<smem>>, %arg3: memref<24xi32, #tpu.memory_space<smem>>, %arg4: memref<24xi32, #tpu.memory_space<smem>>, %arg5: memref<24xi32, #tpu.memory_space<smem>>) -> (i32, i32) {
    %c0_i32 = arith.constant 0 : i32
    %c0_i32_0 = arith.constant 0 : i32
    return %arg0, %c0_i32 : i32, i32
  }
}

</mosaic_0001>

<sc_bundles>
// kernel: kernel.10.cloned.1.call-start
scs
__scs_entry_jumppad:
0x0: {  	(pc) =	sbr.rel $0x88, $3  }
0x1: {  	(tag) =	ssettag $0x0;
	lr =	simm.s32 $0x1  }
0x2: {  	[smem:$0x3F98] =	sst lr;
	_ =	strace $0xD0000000  }
0x3: {  	_ = 	snop  }
0x4: {  	_ = 	snop  }
0x5: {  	_ = 	snop  }
0x6: {  	_ = 	snop  }
0x7: {  	_ = 	snop  }
__scs_overlays_trampoline_lowered:
0x8: {  	[smem:$0x3FA7] =	sst s0  }
0x9: {  	[smem:$0x3FA8] =	sst s1  }
0xa: {  	[smem:$0x3FA9] =	sst s2  }
0xb: {  	[smem:$0x3FAA] =	sst s3  }
0xc: {  	[smem:$0x3FAB] =	sst s4  }
0xd: {  	[smem:$0x3FAC] =	sst s5  }
0xe: {  	[smem:$0x3FAD] =	sst s6  }
0xf: {  	[smem:$0x3FAE] =	sst s7  }
0x10: {  	[smem:$0x3FAF] =	sst s8  }
0x11: {  	[smem:$0x3FB0] =	sst s9;
	s0 =	simm.s32 @!p0 $0x0  }
0x12: {  	s1 =	sld [smem:$0x3F96];
	s0 =	simm.s32 @p0 $0x1  }
0x13: {  	[smem:$0x3FB1] =	sst s0;
	s0 =	simm.s32 @!p1 $0x0  }
0x14: {  	s2 =	sld [smem:$0x3F95];
	s0 =	simm.s32 @p1 $0x1  }
0x15: {  	[smem:$0x3FB2] =	sst s0;
	s0 =	simm.s32 @!p2 $0x0  }
0x16: {  	s3 =	sld [smem:$0x3FDB];
	s0 =	simm.s32 @p2 $0x1  }
0x17: {  	s4 =	simm.s32 $0x1BF5;
	[smem:$0x3FB4] =	sst s0  }
0x18: {  	s0 =	sld [smem:$0x3F97];
	_ =	swait.ge [sflag:s4], $0x0  }
0x19: {  	s7 =	sld [smem:$0x3F98]  }
0x1a: {  	s8 =	sadd.s32 $0xFFFFE003, lr  }
0x1b: {  	s9 =	sadd.s32 $0xFFFFFEF7, lr;
	s5 =	simm.s32 $0xFFFFFFFF;
	p2 =	slt.u32 s8, $0xFFFFF086  }
0x1c: {  	p1 =	slt.u32 s9, $0xF7A;
	s5 =	simm.s32 @!p2 $0x0  }
0x1d: {  	s5 =	simm.s32 @p1 $0x1;
	p0 =	seq.s32 s7, s2  }
0x1e: {  	s7 =	smul.u32 @!p0 $0xF7A, s2;
	p2 =	seq.s32 @!p0 s5, $0x0  }
0x1f: {  	s9 =	smul.u32 $0xF7A, s1;
	s8 =	simm.s32 @!p0 $0x1BF5;
	p2 =	por !p2, p0  }
0x20: {  	[sflag:s8] =	ssyncset.s32 @!p0 $0xFFFFF086;
	s6 =	sadd.s32 @!p0 s3, s7;
	s7 =	simm.s32 @!p0 $0x108  }
0x21: {  	s3 =	sadd.s32 s3, s9;
	s6 =	sadd.s32 @!p0 $0x88, s6;
	s7 =	simm.s32 @p2 $0x1082  }
0x22: {  	[simem:s7], [sflag:s8] =	dma.local @!p0 [hbm:s6], $0xF7A  }
0x23: {  	s9 =	sor.u32 $0xD0000000, s2;
	s6 =	simm.s32 $0x108;
	_ =	swait.ge @!p0 [sflag:s8], $0x0  }
0x24: {  	s3 =	sadd.s32 $0x88, s3;
	s6 =	simm.s32 @!p1 $0x1082;
	[sflag:s4] =	ssyncset.s32 $0xFFFFF086  }
0x25: {  	[simem:s6], [sflag:s4] =	dma.local [hbm:s3], $0xF7A  }
0x26: {  	[smem:$0x3F98] =	sst s1;
	(tag) =	ssettag s2;
	_ =	strace s9  }
0x27: {  	s1 =	sld [smem:$0x3FA8]  }
0x28: {  	s2 =	sld [smem:$0x3FA9]  }
0x29: {  	s4 =	sld [smem:$0x3FAB]  }
0x2a: {  	p0 =	seq.s32 s5, $0x0;
	s5 =	sld [smem:$0x3FAC]  }
0x2b: {  	s6 =	sld [smem:$0x3FAD]  }
0x2c: {  	s7 =	sld [smem:$0x3FAE]  }
0x2d: {  	s3 =	simm.s32 $0x108;
	s8 =	sld [smem:$0x3FAF]  }
0x2e: {  	s3 =	simm.s32 @!p0 $0x1082;
	s9 =	sld [smem:$0x3FB0]  }
0x2f: {  	lr =	sadd.s32 s0, s3;
	s0 =	sld [smem:$0x3FA7]  }
0x30: {  	s3 =	sld [smem:$0x3FAA]  }
0x31: {  	[smem:$0x3FB3] =	sst s10  }
0x32: {  	s10 =	sld [smem:$0x3FB1];
	_ =	sdelay $0x3  }
0x33: {  	p0 =	seq.s32 s10, $0x1;
	s10 =	sld [smem:$0x3FB3];
	_ =	sdelay $0x3  }
0x34: {  	[smem:$0x3FB3] =	sst s10  }
0x35: {  	s10 =	sld [smem:$0x3FB2];
	_ =	sdelay $0x3  }
0x36: {  	p1 =	seq.s32 s10, $0x1;
	s10 =	sld [smem:$0x3FB3];
	_ =	sdelay $0x3  }
0x37: {  	[smem:$0x3FB3] =	sst s10  }
0x38: {  	s10 =	sld [smem:$0x3FB4]  }
0x39: {  	_ = 	snop;
	(pc) =	sbr.ind lr, $3  }
0x3a: {  	_ = 	snop  }
0x3b: {  	_ = 	snop  }
0x3c: {  	p2 =	seq.s32 s10, $0x1;
	s10 =	sld [smem:$0x3FB3]  }
0x3d: {  	_ =	shalt  }
0x3e: {  	_ =	shalt  }
0x3f: {  	_ =	shalt  }
0x40: {  	_ =	shalt  }
0x41: {  	_ =	shalt  }
0x42: {  	_ =	shalt  }
0x43: {  	_ =	shalt  }
0x44: {  	_ =	shalt  }
0x45: {  	_ =	shalt  }
0x46: {  	_ =	shalt  }
0x47: {  	_ =	shalt  }
0x48: {  	_ =	shalt  }
0x49: {  	_ =	shalt  }
0x4a: {  	_ =	shalt  }
0x4b: {  	_ =	shalt  }
0x4c: {  	_ =	shalt  }
0x4d: {  	_ =	shalt  }
0x4e: {  	_ =	shalt  }
0x4f: {  	_ =	shalt  }
0x50: {  	_ =	shalt  }
0x51: {  	_ =	shalt  }
0x52: {  	_ =	shalt  }
0x53: {  	_ =	shalt  }
0x54: {  	_ =	shalt  }
0x55: {  	_ =	shalt  }
0x56: {  	_ =	shalt  }
0x57: {  	_ =	shalt  }
0x58: {  	_ =	shalt  }
0x59: {  	_ =	shalt  }
0x5a: {  	_ =	shalt  }
0x5b: {  	_ =	shalt  }
0x5c: {  	_ =	shalt  }
0x5d: {  	_ =	shalt  }
0x5e: {  	_ =	shalt  }
0x5f: {  	_ =	shalt  }
0x60: {  	_ =	shalt  }
0x61: {  	_ =	shalt  }
0x62: {  	_ =	shalt  }
0x63: {  	_ =	shalt  }
0x64: {  	_ =	shalt  }
0x65: {  	_ =	shalt  }
0x66: {  	_ =	shalt  }
0x67: {  	_ =	shalt  }
0x68: {  	_ =	shalt  }
0x69: {  	_ =	shalt  }
0x6a: {  	_ =	shalt  }
0x6b: {  	_ =	shalt  }
0x6c: {  	_ =	shalt  }
0x6d: {  	_ =	shalt  }
0x6e: {  	_ =	shalt  }
0x6f: {  	_ =	shalt  }
0x70: {  	_ =	shalt  }
0x71: {  	_ =	shalt  }
0x72: {  	_ =	shalt  }
0x73: {  	_ =	shalt  }
0x74: {  	_ =	shalt  }
0x75: {  	_ =	shalt  }
0x76: {  	_ =	shalt  }
0x77: {  	_ =	shalt  }
0x78: {  	_ =	shalt  }
0x79: {  	_ =	shalt  }
0x7a: {  	_ =	shalt  }
0x7b: {  	_ =	shalt  }
0x7c: {  	_ =	shalt  }
0x7d: {  	_ =	shalt  }
0x7e: {  	_ =	shalt  }
0x7f: {  	_ =	shalt  }
0x80: {  	_ =	shalt  }
0x81: {  	_ =	shalt  }
0x82: {  	_ =	shalt  }
0x83: {  	_ =	shalt  }
0x84: {  	_ =	shalt  }
0x85: {  	_ =	shalt  }
0x86: {  	_ =	shalt  }
0x87: {  	_ =	shalt  }
.Lfunc_end0:
.L_simem_size_0:
called_computation.1_lowered:
.L_overlay_start_0:
0x88: {  	s2 =	sld [smem:$0x3FD9]  }
0x89: {  	s3 =	sld [smem:$0x3FFE];
	_ =	sdelay $0x1  }
0x8a: {  	s1 =	srdreg.scid  }
0x8b: {  	s0 =	sand.u32 $0x1, s1  }
0x8c: {  	s14 =	sshll.u32 s0, $0xA;
	s2 =	sadd.s32 s3, s2  }
0x8d: {  	s2 =	sadd.s32 s2, s14  }
0x8e: {  	[smem:$0x3FBF] =	sst s2  }
0x8f: {  	_ = 	snop  }
0x90: {  	s2 =	sld [smem:$0x3FD0];
	_ =	sdelay $0x2  }
0x91: {  	s15 =	simm.s32 $0xA;
	s4 =	simm.s32 $0x10  }
0x92: {  	[smem:s4], [sflag:s15] =	dma.local [hbm:s2], $0x1  }
0x93: {  	_ =	swait.eq [sflag:s15], $0x1  }
0x94: {  	[sflag:s15] =	ssyncset.done $0x0  }
0x95: {  	[sflag:s15] =	ssyncadd.s32 $0xFFFFFFFF  }
0x96: {  	s16 =	sld [smem:$0x10];
	(tm) =	ssettm $0x1  }
0x97: {  	s17 =	sld [smem:$0x3FFB];
	_ =	sdelay $0x3  }
0x98: {  	_ =	strace s17  }
0x99: {  	s3 =	sld [smem:$0x3FFC];
	_ =	sdelay $0x3  }
0x9a: {  	_ =	strace s3  }
0x9b: {  	s3 =	sld [smem:$0x3FFD];
	_ =	sdelay $0x3  }
0x9c: {  	_ =	strace s3  }
0x9d: {  	_ =	strace $0x8FFFFFFF  }
0x9e: {  	s18 =	sld [smem:$0x3FDB];
	_ =	sdelay $0x1  }
0x9f: {  	s19 =	simm.s32 $_scs_section_size  }
0xa0: {  	s5 =	simm.s32 $_size__tile_overlayer_lowered;
	s6 =	simm.s32 $_tile_overlayer_lowered  }
0xa1: {  	s22 =	simm.s32 $0x1BFF;
	s21 =	sshll.u32 s6, $0x1;
	s3 =	sadd.s32 s19, s18  }
0xa2: {  	s7 =	simm.s32 $0x0;
	s20 =	sshll.u32 s5, $0x1;
	s5 =	sadd.s32 s21, s3  }
0xa3: {  	[timem:s7], [sflag:s22] =	dma.local [hbm:s5], s20  }
0xa4: {  	_ =	swait.ge [sflag:s22], s20  }
0xa5: {  	s4 =	ssub.s32 $0x0, s20;
	[sflag:s22] =	ssyncset.done $0x0  }
0xa6: {  	[sflag:s22] =	ssyncadd.s32 s4;
	_ =	sdelay $0x1  }
0xa7: {  	s23 =	simm.s32 $0x1B8B  }
0xa8: {  	_ =	swait.ge [sflag:s23], $0x1  }
0xa9: {  	[sflag:s23] =	ssyncset.done $0x0  }
0xaa: {  	s25 =	simm.s32 $0x1B8E;
	s24 =	sld [smem:$0x3FFE];
	[sflag:s23] =	ssyncadd.s32 $0xFFFFFFFF  }
0xab: {  	s26 =	simm.s32 $execute0_lowered;
	[smem:$0x3FD2] =	sst s25  }
0xac: {  	s5 =	sshll.u32 s26, $0x1;
	_ =	strace $0x80000049;
	[dreg:$0x1] =	wrdreg $0xFFFFFFFF  }
0xad: {  	s28 =	simm.s32 $_size_execute0_lowered;
	s3 =	sadd.s32 s3, s5;
	[dreg:$0x0] =	wrdreg $0x0  }
0xae: {  	s5 =	sshll.u32 s28, $0x1;
	[dreg:$0x2] =	wrdreg s3  }
0xaf: {  	[dreg:$0x3] =	wrdreg s5  }
0xb0: {  	[dreg:$0x4] =	wrdreg $0xC0  }
0xb1: {  	_ =	task [dreg:s7], $0x5FFFF  }
0xb2: {  	[dreg:$0x1] =	wrdreg $0xFFFFFFFF  }
0xb3: {  	[dreg:$0x0] =	wrdreg $0x60  }
0xb4: {  	[dreg:$0x2] =	wrdreg s24  }
0xb5: {  	[dreg:$0x3] =	wrdreg s16  }
0xb6: {  	[dreg:$0x4] =	wrdreg $0x9  }
0xb7: {  	_ =	task.clear_ibuf [dreg:s7], $0x5FFFF;
	_ =	strace $0x90000049  }
0xb8: {  	s29 =	simm.s32 $0x9;
	_ =	strace $0x8000004B  }
0xb9: {  	_ =	swait.ge [sflag:s29], $0x1  }
0xba: {  	[sflag:s29] =	ssyncadd.s32 $0xFFFFFFFF  }
0xbb: {  	_ =	strace $0x9000004B  }
0xbc: {  	_ =	sfence  }
0xbd: {  	s30 =	sld [smem:$0x0];
	_ =	sdelay $0x2  }
0xbe: {  	s31 =	sshll.u32 s1, $0xD;
	s1 =	sshrl.u32 s1, $0x2  }
0xbf: {  	s3 =	sand.u32 $0x4000, s31;
	s1 =	sadd.s32 s1, s30  }
0xc0: {  	s0 =	sor.u32 s3, s0;
	s1 =	sshll.u32 s1, $0x11  }
0xc1: {  	s0 =	sor.u32 s1, s0  }
0xc2: {  	s0 =	sadd.s32 $0x8F2B, s0  }
0xc3: {  	[sflag:s0] =	ssyncadd.remote.s32 $0x1  }
0xc4: {  	_ =	sfence.sel $0xFFFF  }
0xc5: {  	[dreg:$0x0] =	wrdreg $0xFFFFFFFF;
	(pc) =	sbr.abs _section_cstart, $3  }
0xc6: {  	[dreg:$0x1] =	wrdreg $0xFFFFFFFF  }
0xc7: {  	_ =	task.clear_ibuf [dreg:s7], $0x2FFFF;
	_ =	strace $0x9FFFFFFF  }
0xc8: {  	(tm) =	ssettm $0x7FFFFFFF  }
0xc9: {  	_ =	shalt  }
tec
execute0_lowered:
.L_overlay_start_1:
0x0: {  	(tag) =	ssettag $0x1  }
0x1: {  	s0 =	rddreg [dreg:$0x0]  }
0x2: {  	s2 =	rddreg [dreg:$0x1];
	s1 =	simm.s32 $0x0  }
0x3: {  	s4 =	srdreg.scid;
	s6 =	stileid.u32;
	s16 =	simm.s32 $0x2  }
0x4: {  	s17 =	simm.s32 $0x9100;
	s18 =	simm.s32 $0xA100;
	s19 =	simm.s32 $0xB100  }
0x5: {  	s13 =	simm.s32 $0xB900;
	s14 =	simm.s32 $0xC900;
	s15 =	simm.s32 $0xD900  }
0x6: {  	s28 =	simm.s32 $0x0;
	[smem:$0x7FF] =	sst s1;
	s3 =	sadd.s32 $0x11A000, s0  }
0x7: {  	s4 =	sand.u32 $0x1, s4;
	s5 =	sadd.s32 $0x19400, s0;
	s6 =	sshll.u32 s6, $0x7  }
0x8: {  	s9 =	sadd.s32 $0x19600, s0;
	s11 =	sadd.s32 $0xD9800, s0;
	s8 =	sadd.s32 $0x11A300, s0  }
0x9: {  	_ =	strace $0x8000004A;
	s7 =	sshll.u32 s4, $0x6;
	s4 =	ssub.s32 $0x2, s4  }
0xa: {  	s10 =	sor.u32 s7, s6;
	s20 =	sshrl.u32 s4, $0x1;
	s6 =	sadd.s32 $0x11A100, s0  }
0xb: {  	s7 =	sshrl.u32 s10, $0x3;
	s4 =	ssub.s32 s4, s20;
	s12 =	sshll.u32 s10, $0x7  }
0xc: {  	s24 =	sor.u32 $0x20, s10;
	s10 =	simm.s32 $0x80;
	s20 =	simm.s32 $0xC100  }
0xd: {  	s21 =	sadd.s32 s5, s7;
	s22 =	sadd.s32 s9, s7;
	s7 =	sadd.s32 $0x11A200, s0  }
0xe: {  	s23 =	sadd.s32 s11, s12;
	s25 =	sadd.s32 s2, s12;
	[dreg:$0x3] =	wrdreg s21  }
0xf: {  	s26 =	sshrl.u32 s24, $0x3;
	s0 =	sshll.u32 s24, $0x7;
	[dreg:$0x4] =	wrdreg s22  }
0x10: {  	s31 =	smax.u32 s4, $0x1;
	s12 =	simm.s32 $0xA900;
	[dreg:$0x5] =	wrdreg s23  }
0x11: {  	s24 =	simm.s32 $0xF100;
	[dreg:$0x6] =	wrdreg s25;
	s5 =	sadd.s32 s5, s26  }
0x12: {  	s29 =	sadd.s32 s9, s26;
	s30 =	sadd.s32 s11, s0;
	[dreg:$0xb] =	wrdreg s31  }
0x13: {  	s0 =	sadd.s32 s2, s0;
	s11 =	simm.s32 $0x9900;
	[dreg:$0x7] =	wrdreg s5  }
0x14: {  	v2 =	vlaneseq.u32;
	s21 =	simm.s32 $0xD100;
	s22 =	simm.s32 $0xE100;
	[dreg:$0x8] =	wrdreg s29  }
0x15: {  	vm0 =	vmmov $0xffff;
	v1 =	vshrl.u32 v2, $0x3;
	s23 =	simm.s32 $0xE900;
	s25 =	simm.s32 $0xF900;
	[dreg:$0x9] =	wrdreg s30  }
0x16: {  	v0 =	vand.u32 $0x7, v2;
	v2 =	vor.u32 $0x8, v2;
	v1 =	vmul.u32 $0x8, v1;
	s26 =	simm.s32 $0x10100;
	[dreg:$0xa] =	wrdreg s0;
	s5 =	simm.s32 $0x1  }
.LBB2_1:
0x17: {  	s0 =	rddreg [dreg:$0x3]  }
0x18: {  	[tilespmem:s1], [sflag:$0x2] =	stream.linear.gather [hbm4b:s0+s1], $0x20, $0x38;
	[tilespmem:$0x18100] =	vst v63  }
0x19: {  	_ =	swait.ge [sflag:s16], $0x20  }
0x1a: {  	[sflag:s16] =	ssyncset.done $0x0  }
0x1b: {  	s2 =	rddreg [dreg:$0x4];
	[sflag:s16] =	ssyncadd.s32 $0xFFFFFFE0  }
0x1c: {  	[tilespmem:s10], [sflag:$0x2] =	stream.linear.gather [hbm4b:s2+s1], $0x20, $0x38;
	[tilespmem:$0x18100] =	vst v63  }
0x1d: {  	_ =	swait.ge [sflag:s16], $0x20  }
0x1e: {  	[sflag:s16] =	ssyncset.done $0x0  }
0x1f: {  	[sflag:s16] =	ssyncadd.s32 $0xFFFFFFE0  }
0x20: {  	v3 =	vld [tilespmem:$0x0];
	_ =	sdelay $0x4  }
0x21: {  	v4 =	vshll.u32 v3, $0x3  }
0x22: {  	v3 =	vand.u32 $0x7, v3;
	v4 =	vand.u32 $0xFFFFFFC0, v4  }
0x23: {  	v3 =	vor.u32 v3, v4  }
0x24: {  	v4 =	vperm.xlane v3, v0;
	_ =	sdelay $0x1  }
0x25: {  	v4 =	vadd.s32 v1, v4;
	_ =	sdelay $0x3  }
0x26: {  	s4 =	simm.s32 $0x100  }
0x27: {  	[tilespmem:s4], [sflag:$0x1] =	stream.indirect_vreg.gather [hbm4b:s3+s1], $0x80, v4, vm0, $0xb8;
	[tilespmem:$0x18100] =	vst v63  }
0x28: {  	s9 =	simm.s32 $0x900;
	v3 =	vperm.xlane v3, v2  }
0x29: {  	[tilespmem:s9], [sflag:$0x1] =	stream.indirect_vreg.gather [hbm4b:s6+s1], $0x80, v4, vm0, $0xb8;
	[tilespmem:$0x18100] =	vst v63  }
0x2a: {  	s30 =	simm.s32 $0x1100;
	v3 =	vadd.s32 v1, v3  }
0x2b: {  	[tilespmem:s30], [sflag:$0x1] =	stream.indirect_vreg.gather [hbm4b:s7+s1], $0x80, v4, vm0, $0xb8;
	[tilespmem:$0x18100] =	vst v63  }
0x2c: {  	s31 =	simm.s32 $0x1900  }
0x2d: {  	[tilespmem:s31], [sflag:$0x1] =	stream.indirect_vreg.gather [hbm4b:s8+s1], $0x80, v4, vm0, $0xb8;
	[tilespmem:$0x18100] =	vst v63  }
0x2e: {  	s2 =	simm.s32 $0x2100  }
0x2f: {  	[tilespmem:s2], [sflag:$0x1] =	stream.indirect_vreg.gather [hbm4b:s3+s1], $0x80, v3, vm0, $0xb8;
	[tilespmem:$0x18100] =	vst v63  }
0x30: {  	s4 =	simm.s32 $0x2900  }
0x31: {  	[tilespmem:s4], [sflag:$0x1] =	stream.indirect_vreg.gather [hbm4b:s6+s1], $0x80, v3, vm0, $0xb8;
	[tilespmem:$0x18100] =	vst v63  }
0x32: {  	s9 =	simm.s32 $0x3100  }
0x33: {  	[tilespmem:s9], [sflag:$0x1] =	stream.indirect_vreg.gather [hbm4b:s7+s1], $0x80, v3, vm0, $0xb8;
	[tilespmem:$0x18100] =	vst v63  }
0x34: {  	s30 =	simm.s32 $0x3900  }
0x35: {  	[tilespmem:s30], [sflag:$0x1] =	stream.indirect_vreg.gather [hbm4b:s8+s1], $0x80, v3, vm0, $0xb8;
	[tilespmem:$0x18100] =	vst v63  }
0x36: {  	v3 =	vld [tilespmem:$0x10];
	_ =	sdelay $0x4  }
0x37: {  	v61 =	vshll.u32 v3, $0x3  }
0x38: {  	v3 =	vand.u32 $0x7, v3;
	v4 =	vand.u32 $0xFFFFFFC0, v61  }
0x39: {  	v3 =	vor.u32 v3, v4  }
0x3a: {  	v4 =	vperm.xlane v3, v0;
	_ =	sdelay $0x1  }
0x3b: {  	v4 =	vadd.s32 v1, v4;
	_ =	sdelay $0x3  }
0x3c: {  	s31 =	simm.s32 $0x4100  }
0x3d: {  	[tilespmem:s31], [sflag:$0x1] =	stream.indirect_vreg.gather [hbm4b:s3+s1], $0x80, v4, vm0, $0xb8;
	[tilespmem:$0x18100] =	vst v63  }
0x3e: {  	s2 =	simm.s32 $0x4900;
	v3 =	vperm.xlane v3, v2  }
0x3f: {  	[tilespmem:s2], [sflag:$0x1] =	stream.indirect_vreg.gather [hbm4b:s6+s1], $0x80, v4, vm0, $0xb8;
	[tilespmem:$0x18100] =	vst v63  }
0x40: {  	s4 =	simm.s32 $0x5100;
	v3 =	vadd.s32 v1, v3  }
0x41: {  	[tilespmem:s4], [sflag:$0x1] =	stream.indirect_vreg.gather [hbm4b:s7+s1], $0x80, v4, vm0, $0xb8;
	[tilespmem:$0x18100] =	vst v63  }
0x42: {  	s9 =	simm.s32 $0x5900  }
0x43: {  	[tilespmem:s9], [sflag:$0x1] =	stream.indirect_vreg.gather [hbm4b:s8+s1], $0x80, v4, vm0, $0xb8;
	[tilespmem:$0x18100] =	vst v63  }
0x44: {  	s30 =	simm.s32 $0x6100  }
0x45: {  	[tilespmem:s30], [sflag:$0x1] =	stream.indirect_vreg.gather [hbm4b:s3+s1], $0x80, v3, vm0, $0xb8;
	[tilespmem:$0x18100] =	vst v63  }
0x46: {  	s31 =	simm.s32 $0x6900  }
0x47: {  	[tilespmem:s31], [sflag:$0x1] =	stream.indirect_vreg.gather [hbm4b:s6+s1], $0x80, v3, vm0, $0xb8;
	[tilespmem:$0x18100] =	vst v63  }
0x48: {  	s2 =	simm.s32 $0x7100  }
0x49: {  	[tilespmem:s2], [sflag:$0x1] =	stream.indirect_vreg.gather [hbm4b:s7+s1], $0x80, v3, vm0, $0xb8;
	[tilespmem:$0x18100] =	vst v63  }
0x4a: {  	s4 =	simm.s32 $0x7900  }
0x4b: {  	[tilespmem:s4], [sflag:$0x1] =	stream.indirect_vreg.gather [hbm4b:s8+s1], $0x80, v3, vm0, $0xb8;
	[tilespmem:$0x18100] =	vst v63  }
0x4c: {  	_ =	swait.ge [sflag:s5], $0x8000  }
0x4d: {  	[sflag:s5] =	ssyncset.done $0x0  }
0x4e: {  	[sflag:s5] =	ssyncadd.s32 $0xFFFF8000  }
0x4f: {  	v3 =	vld [tilespmem:$0x80];
	_ =	sdelay $0x4  }
0x50: {  	v62 =	vshll.u32 v3, $0x3  }
0x51: {  	v3 =	vand.u32 $0x7, v3;
	v4 =	vand.u32 $0xFFFFFFC0, v62  }
0x52: {  	v3 =	vor.u32 v3, v4  }
0x53: {  	v4 =	vperm.xlane v3, v0;
	_ =	sdelay $0x1  }
0x54: {  	v4 =	vadd.s32 v1, v4;
	_ =	sdelay $0x3  }
0x55: {  	s9 =	simm.s32 $0x8100  }
0x56: {  	[tilespmem:s9], [sflag:$0x1] =	stream.indirect_vreg.gather [hbm4b:s3+s1], $0x80, v4, vm0, $0xb8;
	[tilespmem:$0x18100] =	vst v63  }
0x57: {  	s30 =	simm.s32 $0x8900;
	v3 =	vperm.xlane v3, v2  }
0x58: {  	[tilespmem:s30], [sflag:$0x1] =	stream.indirect_vreg.gather [hbm4b:s6+s1], $0x80, v4, vm0, $0xb8;
	[tilespmem:$0x18100] =	vst v63  }
0x59: {  	v3 =	vadd.s32 v1, v3  }
0x5a: {  	[tilespmem:s17], [sflag:$0x1] =	stream.indirect_vreg.gather [hbm4b:s7+s1], $0x80, v4, vm0, $0xb8;
	[tilespmem:$0x18100] =	vst v63  }
0x5b: {  	_ = 	snop  }
0x5c: {  	[tilespmem:s11], [sflag:$0x1] =	stream.indirect_vreg.gather [hbm4b:s8+s1], $0x80, v4, vm0, $0xb8;
	[tilespmem:$0x18100] =	vst v63  }
0x5d: {  	_ = 	snop  }
0x5e: {  	[tilespmem:s18], [sflag:$0x1] =	stream.indirect_vreg.gather [hbm4b:s3+s1], $0x80, v3, vm0, $0xb8;
	[tilespmem:$0x18100] =	vst v63  }
0x5f: {  	_ = 	snop  }
0x60: {  	[tilespmem:s12], [sflag:$0x1] =	stream.indirect_vreg.gather [hbm4b:s6+s1], $0x80, v3, vm0, $0xb8;
	[tilespmem:$0x18100] =	vst v63  }
0x61: {  	_ = 	snop  }
0x62: {  	[tilespmem:s19], [sflag:$0x1] =	stream.indirect_vreg.gather [hbm4b:s7+s1], $0x80, v3, vm0, $0xb8;
	[tilespmem:$0x18100] =	vst v63  }
0x63: {  	_ = 	snop  }
0x64: {  	[tilespmem:s13], [sflag:$0x1] =	stream.indirect_vreg.gather [hbm4b:s8+s1], $0x80, v3, vm0, $0xb8;
	[tilespmem:$0x18100] =	vst v63  }
0x65: {  	v3 =	vld [tilespmem:$0x90];
	_ =	sdelay $0x4  }
0x66: {  	v63 =	vshll.u32 v3, $0x3  }
0x67: {  	v3 =	vand.u32 $0x7, v3;
	v4 =	vand.u32 $0xFFFFFFC0, v63  }
0x68: {  	v3 =	vor.u32 v3, v4  }
0x69: {  	v4 =	vperm.xlane v3, v0;
	_ =	sdelay $0x1  }
0x6a: {  	v4 =	vadd.s32 v1, v4;
	_ =	sdelay $0x4  }
0x6b: {  	[tilespmem:s20], [sflag:$0x1] =	stream.indirect_vreg.gather [hbm4b:s3+s1], $0x80, v4, vm0, $0xb8;
	[tilespmem:$0x18100] =	vst v63  }
0x6c: {  	v3 =	vperm.xlane v3, v2  }
0x6d: {  	[tilespmem:s14], [sflag:$0x1] =	stream.indirect_vreg.gather [hbm4b:s6+s1], $0x80, v4, vm0, $0xb8;
	[tilespmem:$0x18100] =	vst v63  }
0x6e: {  	v3 =	vadd.s32 v1, v3  }
0x6f: {  	[tilespmem:s21], [sflag:$0x1] =	stream.indirect_vreg.gather [hbm4b:s7+s1], $0x80, v4, vm0, $0xb8;
	[tilespmem:$0x18100] =	vst v63  }
0x70: {  	_ = 	snop  }
0x71: {  	[tilespmem:s15], [sflag:$0x1] =	stream.indirect_vreg.gather [hbm4b:s8+s1], $0x80, v4, vm0, $0xb8;
	[tilespmem:$0x18100] =	vst v63  }
0x72: {  	_ = 	snop  }
0x73: {  	[tilespmem:s22], [sflag:$0x1] =	stream.indirect_vreg.gather [hbm4b:s3+s1], $0x80, v3, vm0, $0xb8;
	[tilespmem:$0x18100] =	vst v63  }
0x74: {  	_ = 	snop  }
0x75: {  	[tilespmem:s23], [sflag:$0x1] =	stream.indirect_vreg.gather [hbm4b:s6+s1], $0x80, v3, vm0, $0xb8;
	[tilespmem:$0x18100] =	vst v63  }
0x76: {  	_ = 	snop  }
0x77: {  	[tilespmem:s24], [sflag:$0x1] =	stream.indirect_vreg.gather [hbm4b:s7+s1], $0x80, v3, vm0, $0xb8;
	[tilespmem:$0x18100] =	vst v63  }
0x78: {  	_ = 	snop  }
0x79: {  	[tilespmem:s25], [sflag:$0x1] =	stream.indirect_vreg.gather [hbm4b:s8+s1], $0x80, v3, vm0, $0xb8;
	[tilespmem:$0x18100] =	vst v63  }
0x7a: {  	_ =	swait.ge [sflag:s5], $0x8000  }
0x7b: {  	[sflag:s5] =	ssyncset.done $0x0  }
0x7c: {  	s31 =	rddreg [dreg:$0x5];
	[sflag:s5] =	ssyncadd.s32 $0xFFFF8000  }
0x7d: {  	[tilespmem:s26], [sflag:$0x2] =	stream.linear.gather [hbm4b:s31+s1], $0x8000, $0x38;
	[tilespmem:$0x18100] =	vst v63  }
0x7e: {  	_ =	swait.ge [sflag:s16], $0x8000  }
0x7f: {  	[sflag:s16] =	ssyncset.done $0x0  }
0x80: {  	s29 =	simm.s32 $0x0;
	[sflag:s16] =	ssyncadd.s32 $0xFFFF8000  }
.LBB2_2:
0x81: {  	s0 =	sshll.u32 s29, $0xA;
	s2 =	sshll.u32 s29, $0x7  }
0x82: {  	s4 =	sand.u32 $0x6000, s0;
	s2 =	sand.u32 $0x380, s2;
	s0 =	simm.s32 $0x0  }
0x83: {  	s31 =	sor.u32 s4, s2;
	s4 =	sand.u32 $0x40, s0  }
0x84: {  	s9 =	sand.u32 $0x1C00, s0;
	s2 =	sor.u32 s4, s31  }
0x85: {  	s30 =	sor.u32 s9, s2  }
0x86: {  	v7 =	vld [tilespmem:s30+$0x8100]  }
0x87: {  	v8 =	vld [tilespmem:s30+$0x8110]  }
0x88: {  	v6 =	vld [tilespmem:s30+$0x100]  }
0x89: {  	v5 =	vld [tilespmem:s30+$0x110]  }
0x8a: {  	v4 =	vld [tilespmem:s30+$0x120]  }
0x8b: {  	v3 =	vld [tilespmem:s30+$0x130]  }
0x8c: {  	s2 =	simm.s32 $0x40;
	v9 =	vld [tilespmem:s30+$0x10100]  }
.LBB2_3:
0x8d: {  	p0 =	sne.s32 s2, $0x3C0;
	v10 =	vld [tilespmem:s30+$0x10110]  }
0x8e: {  	v11 =	vld [tilespmem:s30+$0x10120]  }
0x8f: {  	s4 =	sand.u32 $0x40, s2;
	s0 =	sadd.s32 $0x200, s0;
	v12 =	vld [tilespmem:s30+$0x10130]  }
0x90: {  	s9 =	sand.u32 $0x1C00, s0;
	s4 =	sor.u32 s4, s31;
	v13 =	vld [tilespmem:s30+$0x8120]  }
0x91: {  	s4 =	sor.u32 s9, s4;
	v6 =	vadd.f32 v6, v9;
	v9 =	vld [tilespmem:s30+$0x8130]  }
0x92: {  	v14 =	vld [tilespmem:s4+$0x8100];
	v5 =	vadd.f32 v5, v10  }
0x93: {  	v10 =	vld [tilespmem:s4+$0x8110];
	v7 =	vadd.f32 v7, v6;
	v4 =	vadd.f32 v4, v11  }
.Ltmp0:
0x94: {  	v6 =	vld [tilespmem:s4+$0x100];
	v8 =	vadd.f32 v8, v5;
	v3 =	vadd.f32 v3, v12;
	(pc) =	sbr.rel @p0 .LBB2_3-.Ltmp0, $4  }
0x95: {  	v5 =	vld [tilespmem:s4+$0x110];
	[tilespmem:s30+$0x10100] =	vst v7;
	v11 =	vadd.f32 v13, v4  }
0x96: {  	v4 =	vld [tilespmem:s4+$0x120];
	[tilespmem:s30+$0x10110] =	vst v8;
	v12 =	vadd.f32 v9, v3  }
0x97: {  	v3 =	vld [tilespmem:s4+$0x130];
	[tilespmem:s30+$0x10120] =	vst v11;
	v7 =	vmov v14  }
0x98: {  	s2 =	sadd.s32 $0x40, s2;
	v9 =	vld [tilespmem:s4+$0x10100];
	[tilespmem:s30+$0x10130] =	vst v12;
	v8 =	vmov v10;
	s30 =	smov.u32 s4  }
0x99: {  	v10 =	vld [tilespmem:s30+$0x10110]  }
0x9a: {  	v11 =	vld [tilespmem:s30+$0x10120]  }
0x9b: {  	v12 =	vld [tilespmem:s30+$0x10130]  }
0x9c: {  	v13 =	vld [tilespmem:s30+$0x8120]  }
0x9d: {  	v63 =	vld [tilespmem:s30+$0x8130];
	v6 =	vadd.f32 v6, v9  }
0x9e: {  	s29 =	sadd.s32 $0x1, s29;
	v5 =	vadd.f32 v5, v10  }
0x9f: {  	p0 =	sne.s32 s29, $0x20;
	v4 =	vadd.f32 v4, v11;
	v6 =	vadd.f32 v7, v6  }
.Ltmp1:
0xa0: {  	v3 =	vadd.f32 v3, v12;
	v5 =	vadd.f32 v8, v5;
	(pc) =	sbr.rel @p0 .LBB2_2-.Ltmp1, $4  }
0xa1: {  	v4 =	vadd.f32 v13, v4;
	[tilespmem:s30+$0x10100] =	vst v6  }
0xa2: {  	v3 =	vadd.f32 v63, v3;
	[tilespmem:s30+$0x10110] =	vst v5  }
0xa3: {  	[tilespmem:s30+$0x10120] =	vst v4  }
0xa4: {  	[tilespmem:s30+$0x10130] =	vst v3  }
0xa5: {  	s29 =	simm.s32 $0x0;
	s0 =	rddreg [dreg:$0x6]  }
0xa6: {  	[hbm4b:s0+s29] =	stream.linear.scatter [tilespmem:s26], [sflag:$0x2], $0x8000, $0x38;
	[tilespmem:$0x18100] =	vst v63  }
0xa7: {  	_ =	swait.ge [sflag:s16], $0x8000  }
0xa8: {  	[sflag:s16] =	ssyncset.done $0x0  }
0xa9: {  	s31 =	rddreg [dreg:$0x7];
	[sflag:s16] =	ssyncadd.s32 $0xFFFF8000  }
0xaa: {  	[tilespmem:s29], [sflag:$0x2] =	stream.linear.gather [hbm4b:s31+s29], $0x20, $0x38;
	[tilespmem:$0x18100] =	vst v63  }
0xab: {  	_ =	swait.ge [sflag:s16], $0x20  }
0xac: {  	[sflag:s16] =	ssyncset.done $0x0  }
0xad: {  	s2 =	rddreg [dreg:$0x8];
	[sflag:s16] =	ssyncadd.s32 $0xFFFFFFE0  }
0xae: {  	[tilespmem:s10], [sflag:$0x2] =	stream.linear.gather [hbm4b:s2+s29], $0x20, $0x38;
	[tilespmem:$0x18100] =	vst v63  }
0xaf: {  	_ =	swait.ge [sflag:s16], $0x20  }
0xb0: {  	[sflag:s16] =	ssyncset.done $0x0  }
0xb1: {  	[sflag:s16] =	ssyncadd.s32 $0xFFFFFFE0  }
0xb2: {  	v3 =	vld [tilespmem:$0x0];
	_ =	sdelay $0x4  }
0xb3: {  	v4 =	vshll.u32 v3, $0x3  }
0xb4: {  	v3 =	vand.u32 $0x7, v3;
	v4 =	vand.u32 $0xFFFFFFC0, v4  }
0xb5: {  	v3 =	vor.u32 v3, v4  }
0xb6: {  	v4 =	vperm.xlane v3, v0;
	_ =	sdelay $0x1  }
0xb7: {  	v4 =	vadd.s32 v1, v4;
	_ =	sdelay $0x3  }
0xb8: {  	s4 =	simm.s32 $0x100  }
0xb9: {  	[tilespmem:s4], [sflag:$0x1] =	stream.indirect_vreg.gather [hbm4b:s3+s29], $0x80, v4, vm0, $0xb8;
	[tilespmem:$0x18100] =	vst v63  }
0xba: {  	s9 =	simm.s32 $0x900;
	v3 =	vperm.xlane v3, v2  }
0xbb: {  	[tilespmem:s9], [sflag:$0x1] =	stream.indirect_vreg.gather [hbm4b:s6+s29], $0x80, v4, vm0, $0xb8;
	[tilespmem:$0x18100] =	vst v63  }
0xbc: {  	s10 =	simm.s32 $0x1100;
	v3 =	vadd.s32 v1, v3  }
0xbd: {  	[tilespmem:s10], [sflag:$0x1] =	stream.indirect_vreg.gather [hbm4b:s7+s29], $0x80, v4, vm0, $0xb8;
	[tilespmem:$0x18100] =	vst v63  }
0xbe: {  	s31 =	simm.s32 $0x1900  }
0xbf: {  	[tilespmem:s31], [sflag:$0x1] =	stream.indirect_vreg.gather [hbm4b:s8+s29], $0x80, v4, vm0, $0xb8;
	[tilespmem:$0x18100] =	vst v63  }
0xc0: {  	s2 =	simm.s32 $0x2100  }
0xc1: {  	[tilespmem:s2], [sflag:$0x1] =	stream.indirect_vreg.gather [hbm4b:s3+s29], $0x80, v3, vm0, $0xb8;
	[tilespmem:$0x18100] =	vst v63  }
0xc2: {  	s4 =	simm.s32 $0x2900  }
0xc3: {  	[tilespmem:s4], [sflag:$0x1] =	stream.indirect_vreg.gather [hbm4b:s6+s29], $0x80, v3, vm0, $0xb8;
	[tilespmem:$0x18100] =	vst v63  }
0xc4: {  	s9 =	simm.s32 $0x3100  }
0xc5: {  	[tilespmem:s9], [sflag:$0x1] =	stream.indirect_vreg.gather [hbm4b:s7+s29], $0x80, v3, vm0, $0xb8;
	[tilespmem:$0x18100] =	vst v63  }
0xc6: {  	s10 =	simm.s32 $0x3900  }
0xc7: {  	[tilespmem:s10], [sflag:$0x1] =	stream.indirect_vreg.gather [hbm4b:s8+s29], $0x80, v3, vm0, $0xb8;
	[tilespmem:$0x18100] =	vst v63  }
0xc8: {  	v3 =	vld [tilespmem:$0x10];
	_ =	sdelay $0x4  }
0xc9: {  	v61 =	vshll.u32 v3, $0x3  }
0xca: {  	v3 =	vand.u32 $0x7, v3;
	v4 =	vand.u32 $0xFFFFFFC0, v61  }
0xcb: {  	v3 =	vor.u32 v3, v4  }
0xcc: {  	v4 =	vperm.xlane v3, v0;
	_ =	sdelay $0x1  }
0xcd: {  	v4 =	vadd.s32 v1, v4;
	_ =	sdelay $0x3  }
0xce: {  	s31 =	simm.s32 $0x4100  }
0xcf: {  	[tilespmem:s31], [sflag:$0x1] =	stream.indirect_vreg.gather [hbm4b:s3+s29], $0x80, v4, vm0, $0xb8;
	[tilespmem:$0x18100] =	vst v63  }
0xd0: {  	s2 =	simm.s32 $0x4900;
	v3 =	vperm.xlane v3, v2  }
0xd1: {  	[tilespmem:s2], [sflag:$0x1] =	stream.indirect_vreg.gather [hbm4b:s6+s29], $0x80, v4, vm0, $0xb8;
	[tilespmem:$0x18100] =	vst v63  }
0xd2: {  	s4 =	simm.s32 $0x5100;
	v3 =	vadd.s32 v1, v3  }
0xd3: {  	[tilespmem:s4], [sflag:$0x1] =	stream.indirect_vreg.gather [hbm4b:s7+s29], $0x80, v4, vm0, $0xb8;
	[tilespmem:$0x18100] =	vst v63  }
0xd4: {  	s9 =	simm.s32 $0x5900  }
0xd5: {  	[tilespmem:s9], [sflag:$0x1] =	stream.indirect_vreg.gather [hbm4b:s8+s29], $0x80, v4, vm0, $0xb8;
	[tilespmem:$0x18100] =	vst v63  }
0xd6: {  	s10 =	simm.s32 $0x6100  }
0xd7: {  	[tilespmem:s10], [sflag:$0x1] =	stream.indirect_vreg.gather [hbm4b:s3+s29], $0x80, v3, vm0, $0xb8;
	[tilespmem:$0x18100] =	vst v63  }
0xd8: {  	s31 =	simm.s32 $0x6900  }
0xd9: {  	[tilespmem:s31], [sflag:$0x1] =	stream.indirect_vreg.gather [hbm4b:s6+s29], $0x80, v3, vm0, $0xb8;
	[tilespmem:$0x18100] =	vst v63  }
0xda: {  	s2 =	simm.s32 $0x7100  }
0xdb: {  	[tilespmem:s2], [sflag:$0x1] =	stream.indirect_vreg.gather [hbm4b:s7+s29], $0x80, v3, vm0, $0xb8;
	[tilespmem:$0x18100] =	vst v63  }
0xdc: {  	s4 =	simm.s32 $0x7900  }
0xdd: {  	[tilespmem:s4], [sflag:$0x1] =	stream.indirect_vreg.gather [hbm4b:s8+s29], $0x80, v3, vm0, $0xb8;
	[tilespmem:$0x18100] =	vst v63  }
0xde: {  	_ =	swait.ge [sflag:s5], $0x8000  }
0xdf: {  	[sflag:s5] =	ssyncset.done $0x0  }
0xe0: {  	[sflag:s5] =	ssyncadd.s32 $0xFFFF8000  }
0xe1: {  	v3 =	vld [tilespmem:$0x80];
	_ =	sdelay $0x4  }
0xe2: {  	v62 =	vshll.u32 v3, $0x3  }
0xe3: {  	v3 =	vand.u32 $0x7, v3;
	v4 =	vand.u32 $0xFFFFFFC0, v62  }
0xe4: {  	v3 =	vor.u32 v3, v4  }
0xe5: {  	v4 =	vperm.xlane v3, v0;
	_ =	sdelay $0x1  }
0xe6: {  	v4 =	vadd.s32 v1, v4;
	_ =	sdelay $0x3  }
0xe7: {  	s9 =	simm.s32 $0x8100  }
0xe8: {  	[tilespmem:s9], [sflag:$0x1] =	stream.indirect_vreg.gather [hbm4b:s3+s29], $0x80, v4, vm0, $0xb8;
	[tilespmem:$0x18100] =	vst v63  }
0xe9: {  	s10 =	simm.s32 $0x8900;
	v3 =	vperm.xlane v3, v2  }
0xea: {  	[tilespmem:s10], [sflag:$0x1] =	stream.indirect_vreg.gather [hbm4b:s6+s29], $0x80, v4, vm0, $0xb8;
	[tilespmem:$0x18100] =	vst v63  }
0xeb: {  	v3 =	vadd.s32 v1, v3  }
0xec: {  	[tilespmem:s17], [sflag:$0x1] =	stream.indirect_vreg.gather [hbm4b:s7+s29], $0x80, v4, vm0, $0xb8;
	[tilespmem:$0x18100] =	vst v63  }
0xed: {  	_ = 	snop  }
0xee: {  	[tilespmem:s11], [sflag:$0x1] =	stream.indirect_vreg.gather [hbm4b:s8+s29], $0x80, v4, vm0, $0xb8;
	[tilespmem:$0x18100] =	vst v63  }
0xef: {  	_ = 	snop  }
0xf0: {  	[tilespmem:s18], [sflag:$0x1] =	stream.indirect_vreg.gather [hbm4b:s3+s29], $0x80, v3, vm0, $0xb8;
	[tilespmem:$0x18100] =	vst v63  }
0xf1: {  	_ = 	snop  }
0xf2: {  	[tilespmem:s12], [sflag:$0x1] =	stream.indirect_vreg.gather [hbm4b:s6+s29], $0x80, v3, vm0, $0xb8;
	[tilespmem:$0x18100] =	vst v63  }
0xf3: {  	_ = 	snop  }
0xf4: {  	[tilespmem:s19], [sflag:$0x1] =	stream.indirect_vreg.gather [hbm4b:s7+s29], $0x80, v3, vm0, $0xb8;
	[tilespmem:$0x18100] =	vst v63  }
0xf5: {  	_ = 	snop  }
0xf6: {  	[tilespmem:s13], [sflag:$0x1] =	stream.indirect_vreg.gather [hbm4b:s8+s29], $0x80, v3, vm0, $0xb8;
	[tilespmem:$0x18100] =	vst v63  }
0xf7: {  	v3 =	vld [tilespmem:$0x90];
	_ =	sdelay $0x4  }
0xf8: {  	v63 =	vshll.u32 v3, $0x3  }
0xf9: {  	v3 =	vand.u32 $0x7, v3;
	v4 =	vand.u32 $0xFFFFFFC0, v63  }
0xfa: {  	v3 =	vor.u32 v3, v4  }
0xfb: {  	v4 =	vperm.xlane v3, v0;
	_ =	sdelay $0x1  }
0xfc: {  	v4 =	vadd.s32 v1, v4;
	_ =	sdelay $0x4  }
0xfd: {  	[tilespmem:s20], [sflag:$0x1] =	stream.indirect_vreg.gather [hbm4b:s3+s29], $0x80, v4, vm0, $0xb8;
	[tilespmem:$0x18100] =	vst v63  }
0xfe: {  	v3 =	vperm.xlane v3, v2  }
0xff: {  	[tilespmem:s14], [sflag:$0x1] =	stream.indirect_vreg.gather [hbm4b:s6+s29], $0x80, v4, vm0, $0xb8;
	[tilespmem:$0x18100] =	vst v63  }
0x100: {  	v3 =	vadd.s32 v1, v3  }
0x101: {  	[tilespmem:s21], [sflag:$0x1] =	stream.indirect_vreg.gather [hbm4b:s7+s29], $0x80, v4, vm0, $0xb8;
	[tilespmem:$0x18100] =	vst v63  }
0x102: {  	_ = 	snop  }
0x103: {  	[tilespmem:s15], [sflag:$0x1] =	stream.indirect_vreg.gather [hbm4b:s8+s29], $0x80, v4, vm0, $0xb8;
	[tilespmem:$0x18100] =	vst v63  }
0x104: {  	_ = 	snop  }
0x105: {  	[tilespmem:s22], [sflag:$0x1] =	stream.indirect_vreg.gather [hbm4b:s3+s29], $0x80, v3, vm0, $0xb8;
	[tilespmem:$0x18100] =	vst v63  }
0x106: {  	_ = 	snop  }
0x107: {  	[tilespmem:s23], [sflag:$0x1] =	stream.indirect_vreg.gather [hbm4b:s6+s29], $0x80, v3, vm0, $0xb8;
	[tilespmem:$0x18100] =	vst v63  }
0x108: {  	_ = 	snop  }
0x109: {  	[tilespmem:s24], [sflag:$0x1] =	stream.indirect_vreg.gather [hbm4b:s7+s29], $0x80, v3, vm0, $0xb8;
	[tilespmem:$0x18100] =	vst v63  }
0x10a: {  	_ = 	snop  }
0x10b: {  	[tilespmem:s25], [sflag:$0x1] =	stream.indirect_vreg.gather [hbm4b:s8+s29], $0x80, v3, vm0, $0xb8;
	[tilespmem:$0x18100] =	vst v63  }
0x10c: {  	_ =	swait.ge [sflag:s5], $0x8000  }
0x10d: {  	[sflag:s5] =	ssyncset.done $0x0  }
0x10e: {  	s31 =	rddreg [dreg:$0x9];
	[sflag:s5] =	ssyncadd.s32 $0xFFFF8000  }
0x10f: {  	[tilespmem:s26], [sflag:$0x2] =	stream.linear.gather [hbm4b:s31+s29], $0x8000, $0x38;
	[tilespmem:$0x18100] =	vst v63  }
0x110: {  	_ =	swait.ge [sflag:s16], $0x8000  }
0x111: {  	[sflag:s16] =	ssyncset.done $0x0  }
0x112: {  	s30 =	simm.s32 $0x0;
	[sflag:s16] =	ssyncadd.s32 $0xFFFF8000  }
.LBB2_6:
0x113: {  	s0 =	sshll.u32 s30, $0xA;
	s2 =	sshll.u32 s30, $0x7  }
0x114: {  	s0 =	sand.u32 $0x6000, s0;
	s2 =	sand.u32 $0x380, s2  }
0x115: {  	s10 =	sand.u32 $0x40, s29;
	s0 =	sor.u32 s0, s2  }
0x116: {  	s4 =	sand.u32 $0x1C00, s29;
	s2 =	sor.u32 s10, s0  }
0x117: {  	s31 =	sor.u32 s4, s2  }
0x118: {  	v7 =	vld [tilespmem:s31+$0x8100]  }
0x119: {  	v8 =	vld [tilespmem:s31+$0x8110]  }
0x11a: {  	v6 =	vld [tilespmem:s31+$0x100]  }
0x11b: {  	v5 =	vld [tilespmem:s31+$0x110]  }
0x11c: {  	v4 =	vld [tilespmem:s31+$0x120]  }
0x11d: {  	v3 =	vld [tilespmem:s31+$0x130]  }
0x11e: {  	s2 =	simm.s32 $0x40;
	s4 =	simm.s32 $0x0;
	v9 =	vld [tilespmem:s31+$0x10100]  }
.LBB2_7:
0x11f: {  	p0 =	sne.s32 s2, $0x3C0;
	v10 =	vld [tilespmem:s31+$0x10110]  }
0x120: {  	v11 =	vld [tilespmem:s31+$0x10120]  }
0x121: {  	s9 =	sand.u32 $0x40, s2;
	s4 =	sadd.s32 $0x200, s4;
	v12 =	vld [tilespmem:s31+$0x10130]  }
0x122: {  	s10 =	sand.u32 $0x1C00, s4;
	s9 =	sor.u32 s9, s0;
	v13 =	vld [tilespmem:s31+$0x8120]  }
0x123: {  	s9 =	sor.u32 s10, s9;
	v6 =	vadd.f32 v6, v9;
	v9 =	vld [tilespmem:s31+$0x8130]  }
0x124: {  	v14 =	vld [tilespmem:s9+$0x8100];
	v5 =	vadd.f32 v5, v10  }
0x125: {  	v10 =	vld [tilespmem:s9+$0x8110];
	v7 =	vadd.f32 v7, v6;
	v4 =	vadd.f32 v4, v11  }
.Ltmp2:
0x126: {  	v6 =	vld [tilespmem:s9+$0x100];
	v8 =	vadd.f32 v8, v5;
	v3 =	vadd.f32 v3, v12;
	(pc) =	sbr.rel @p0 .LBB2_7-.Ltmp2, $4  }
0x127: {  	v5 =	vld [tilespmem:s9+$0x110];
	[tilespmem:s31+$0x10100] =	vst v7;
	v11 =	vadd.f32 v13, v4  }
0x128: {  	v4 =	vld [tilespmem:s9+$0x120];
	[tilespmem:s31+$0x10110] =	vst v8;
	v12 =	vadd.f32 v9, v3  }
0x129: {  	v3 =	vld [tilespmem:s9+$0x130];
	[tilespmem:s31+$0x10120] =	vst v11;
	v7 =	vmov v14  }
0x12a: {  	s2 =	sadd.s32 $0x40, s2;
	v9 =	vld [tilespmem:s9+$0x10100];
	[tilespmem:s31+$0x10130] =	vst v12;
	v8 =	vmov v10;
	s31 =	smov.u32 s9  }
0x12b: {  	v10 =	vld [tilespmem:s31+$0x10110]  }
0x12c: {  	v11 =	vld [tilespmem:s31+$0x10120]  }
0x12d: {  	v12 =	vld [tilespmem:s31+$0x10130]  }
0x12e: {  	v13 =	vld [tilespmem:s31+$0x8120]  }
0x12f: {  	v63 =	vld [tilespmem:s31+$0x8130];
	v6 =	vadd.f32 v6, v9  }
0x130: {  	s30 =	sadd.s32 $0x1, s30;
	v5 =	vadd.f32 v5, v10  }
0x131: {  	p0 =	sne.s32 s30, $0x20;
	v4 =	vadd.f32 v4, v11;
	v6 =	vadd.f32 v7, v6  }
.Ltmp3:
0x132: {  	v3 =	vadd.f32 v3, v12;
	v5 =	vadd.f32 v8, v5;
	(pc) =	sbr.rel @p0 .LBB2_6-.Ltmp3, $4  }
0x133: {  	v4 =	vadd.f32 v13, v4;
	[tilespmem:s31+$0x10100] =	vst v6  }
0x134: {  	v3 =	vadd.f32 v63, v3;
	[tilespmem:s31+$0x10110] =	vst v5  }
0x135: {  	[tilespmem:s31+$0x10120] =	vst v4  }
0x136: {  	[tilespmem:s31+$0x10130] =	vst v3  }
0x137: {  	s0 =	rddreg [dreg:$0xa]  }
0x138: {  	[hbm4b:s0+s1] =	stream.linear.scatter [tilespmem:s26], [sflag:$0x2], $0x8000, $0x38;
	[tilespmem:$0x18100] =	vst v63  }
0x139: {  	_ =	swait.ge [sflag:s16], $0x8000  }
0x13a: {  	s28 =	sadd.s32 $0x1, s28;
	s31 =	rddreg [dreg:$0xb]  }
0x13b: {  	p0 =	sne.s32 s28, s31  }
.Ltmp4:
0x13c: {  	_ = 	snop;
	(pc) =	sbr.rel @p0 .LBB2_1-.Ltmp4, $3  }
0x13d: {  	_ =	sdelay $0x1  }
0x13e: {  	[sflag:s16] =	ssyncset.done $0x0  }
0x13f: {  	s10 =	simm.s32 $0x80;
	[sflag:s16] =	ssyncadd.s32 $0xFFFF8000  }
0x140: {  	_ =	sfence.sel $0x180000  }
0x141: {  	[bflag:$0x0] =	sbarrier.arrive $0xFFFF  }
0x142: {  	_ =	strace $0x9000004A  }
0x143: {  	s0 =	stileid.u32;
	[bflag:$0x2] =	sbarrier.arrive $0xFFFF  }
0x144: {  	p0 =	sne.s32 s0, $0x0;
	s0 =	rddreg [dreg:$0x2]  }
0x145: {  	s0 =	sadd.s32 @!p0 $0x100000, s0  }
0x146: {  	[sflag:s0] =	ssyncadd.tile.s32 @!p0 $0x1;
	_ =	shalt  }
.Lfunc_end2:
_tile_overlayer_lowered:
.L_overlay_start_2:
0x147: {  	(tag) =	ssettag $0x2  }
0x148: {  	s0 =	rddreg [dreg:$0x0];
	s2 =	stileid.u32  }
0x149: {  	s1 =	rddreg [dreg:$0x1];
	p0 =	sne.s32 s2, $0x0  }
0x14a: {  	s3 =	rddreg [dreg:$0x2];
	[bflag:$0x3] =	sbarrier.arrive $0xFFFF;
	s2 =	simm.s32 @!p0 $0x1C02  }
0x14b: {  	[timem:s3], [sflag:s2] =	dma.local @!p0 [hbm:s0], s1  }
0x14c: {  	s0 =	simm.s32 @!p0 $0x2  }
0x14d: {  	_ =	swait.ge @!p0 [sflag:s0], s1  }
0x14e: {  	s1 =	ssub.s32 @!p0 $0x0, s1;
	[sflag:s0] =	ssyncset.done @!p0 $0x0  }
0x14f: {  	[sflag:s0] =	ssyncadd.s32 @!p0 s1  }
0x150: {  	[bflag:$0x3] =	sbarrier.arrive $0xFFFF  }
0x151: {  	_ =	shalt  }

// kernel: kernel.7.cloned.1.call-start
scs
__scs_entry_jumppad:
0x0: {  	(pc) =	sbr.rel $0x88, $3  }
0x1: {  	(tag) =	ssettag $0x0;
	lr =	simm.s32 $0x1  }
0x2: {  	[smem:$0x3F98] =	sst lr;
	_ =	strace $0xD0000000  }
0x3: {  	_ = 	snop  }
0x4: {  	_ = 	snop  }
0x5: {  	_ = 	snop  }
0x6: {  	_ = 	snop  }
0x7: {  	_ = 	snop  }
__scs_overlays_trampoline_lowered:
0x8: {  	[smem:$0x3FA7] =	sst s0  }
0x9: {  	[smem:$0x3FA8] =	sst s1  }
0xa: {  	[smem:$0x3FA9] =	sst s2  }
0xb: {  	[smem:$0x3FAA] =	sst s3  }
0xc: {  	[smem:$0x3FAB] =	sst s4  }
0xd: {  	[smem:$0x3FAC] =	sst s5  }
0xe: {  	[smem:$0x3FAD] =	sst s6  }
0xf: {  	[smem:$0x3FAE] =	sst s7  }
0x10: {  	[smem:$0x3FAF] =	sst s8  }
0x11: {  	[smem:$0x3FB0] =	sst s9;
	s0 =	simm.s32 @!p0 $0x0  }
0x12: {  	s1 =	sld [smem:$0x3F96];
	s0 =	simm.s32 @p0 $0x1  }
0x13: {  	[smem:$0x3FB1] =	sst s0;
	s0 =	simm.s32 @!p1 $0x0  }
0x14: {  	s2 =	sld [smem:$0x3F95];
	s0 =	simm.s32 @p1 $0x1  }
0x15: {  	[smem:$0x3FB2] =	sst s0;
	s0 =	simm.s32 @!p2 $0x0  }
0x16: {  	s3 =	sld [smem:$0x3FDB];
	s0 =	simm.s32 @p2 $0x1  }
0x17: {  	s4 =	simm.s32 $0x1BF5;
	[smem:$0x3FB4] =	sst s0  }
0x18: {  	s0 =	sld [smem:$0x3F97];
	_ =	swait.ge [sflag:s4], $0x0  }
0x19: {  	s7 =	sld [smem:$0x3F98]  }
0x1a: {  	s8 =	sadd.s32 $0xFFFFE003, lr  }
0x1b: {  	s9 =	sadd.s32 $0xFFFFFEF7, lr;
	s5 =	simm.s32 $0xFFFFFFFF;
	p2 =	slt.u32 s8, $0xFFFFF086  }
0x1c: {  	p1 =	slt.u32 s9, $0xF7A;
	s5 =	simm.s32 @!p2 $0x0  }
0x1d: {  	s5 =	simm.s32 @p1 $0x1;
	p0 =	seq.s32 s7, s2  }
0x1e: {  	s7 =	smul.u32 @!p0 $0xF7A, s2;
	p2 =	seq.s32 @!p0 s5, $0x0  }
0x1f: {  	s9 =	smul.u32 $0xF7A, s1;
	s8 =	simm.s32 @!p0 $0x1BF5;
	p2 =	por !p2, p0  }
0x20: {  	[sflag:s8] =	ssyncset.s32 @!p0 $0xFFFFF086;
	s6 =	sadd.s32 @!p0 s3, s7;
	s7 =	simm.s32 @!p0 $0x108  }
0x21: {  	s3 =	sadd.s32 s3, s9;
	s6 =	sadd.s32 @!p0 $0x88, s6;
	s7 =	simm.s32 @p2 $0x1082  }
0x22: {  	[simem:s7], [sflag:s8] =	dma.local @!p0 [hbm:s6], $0xF7A  }
0x23: {  	s9 =	sor.u32 $0xD0000000, s2;
	s6 =	simm.s32 $0x108;
	_ =	swait.ge @!p0 [sflag:s8], $0x0  }
0x24: {  	s3 =	sadd.s32 $0x88, s3;
	s6 =	simm.s32 @!p1 $0x1082;
	[sflag:s4] =	ssyncset.s32 $0xFFFFF086  }
0x25: {  	[simem:s6], [sflag:s4] =	dma.local [hbm:s3], $0xF7A  }
0x26: {  	[smem:$0x3F98] =	sst s1;
	(tag) =	ssettag s2;
	_ =	strace s9  }
0x27: {  	s1 =	sld [smem:$0x3FA8]  }
0x28: {  	s2 =	sld [smem:$0x3FA9]  }
0x29: {  	s4 =	sld [smem:$0x3FAB]  }
0x2a: {  	p0 =	seq.s32 s5, $0x0;
	s5 =	sld [smem:$0x3FAC]  }
0x2b: {  	s6 =	sld [smem:$0x3FAD]  }
0x2c: {  	s7 =	sld [smem:$0x3FAE]  }
0x2d: {  	s3 =	simm.s32 $0x108;
	s8 =	sld [smem:$0x3FAF]  }
0x2e: {  	s3 =	simm.s32 @!p0 $0x1082;
	s9 =	sld [smem:$0x3FB0]  }
0x2f: {  	lr =	sadd.s32 s0, s3;
	s0 =	sld [smem:$0x3FA7]  }
0x30: {  	s3 =	sld [smem:$0x3FAA]  }
0x31: {  	[smem:$0x3FB3] =	sst s10  }
0x32: {  	s10 =	sld [smem:$0x3FB1];
	_ =	sdelay $0x3  }
0x33: {  	p0 =	seq.s32 s10, $0x1;
	s10 =	sld [smem:$0x3FB3];
	_ =	sdelay $0x3  }
0x34: {  	[smem:$0x3FB3] =	sst s10  }
0x35: {  	s10 =	sld [smem:$0x3FB2];
	_ =	sdelay $0x3  }
0x36: {  	p1 =	seq.s32 s10, $0x1;
	s10 =	sld [smem:$0x3FB3];
	_ =	sdelay $0x3  }
0x37: {  	[smem:$0x3FB3] =	sst s10  }
0x38: {  	s10 =	sld [smem:$0x3FB4]  }
0x39: {  	_ = 	snop;
	(pc) =	sbr.ind lr, $3  }
0x3a: {  	_ = 	snop  }
0x3b: {  	_ = 	snop  }
0x3c: {  	p2 =	seq.s32 s10, $0x1;
	s10 =	sld [smem:$0x3FB3]  }
0x3d: {  	_ =	shalt  }
0x3e: {  	_ =	shalt  }
0x3f: {  	_ =	shalt  }
0x40: {  	_ =	shalt  }
0x41: {  	_ =	shalt  }
0x42: {  	_ =	shalt  }
0x43: {  	_ =	shalt  }
0x44: {  	_ =	shalt  }
0x45: {  	_ =	shalt  }
0x46: {  	_ =	shalt  }
0x47: {  	_ =	shalt  }
0x48: {  	_ =	shalt  }
0x49: {  	_ =	shalt  }
0x4a: {  	_ =	shalt  }
0x4b: {  	_ =	shalt  }
0x4c: {  	_ =	shalt  }
0x4d: {  	_ =	shalt  }
0x4e: {  	_ =	shalt  }
0x4f: {  	_ =	shalt  }
0x50: {  	_ =	shalt  }
0x51: {  	_ =	shalt  }
0x52: {  	_ =	shalt  }
0x53: {  	_ =	shalt  }
0x54: {  	_ =	shalt  }
0x55: {  	_ =	shalt  }
0x56: {  	_ =	shalt  }
0x57: {  	_ =	shalt  }
0x58: {  	_ =	shalt  }
0x59: {  	_ =	shalt  }
0x5a: {  	_ =	shalt  }
0x5b: {  	_ =	shalt  }
0x5c: {  	_ =	shalt  }
0x5d: {  	_ =	shalt  }
0x5e: {  	_ =	shalt  }
0x5f: {  	_ =	shalt  }
0x60: {  	_ =	shalt  }
0x61: {  	_ =	shalt  }
0x62: {  	_ =	shalt  }
0x63: {  	_ =	shalt  }
0x64: {  	_ =	shalt  }
0x65: {  	_ =	shalt  }
0x66: {  	_ =	shalt  }
0x67: {  	_ =	shalt  }
0x68: {  	_ =	shalt  }
0x69: {  	_ =	shalt  }
0x6a: {  	_ =	shalt  }
0x6b: {  	_ =	shalt  }
0x6c: {  	_ =	shalt  }
0x6d: {  	_ =	shalt  }
0x6e: {  	_ =	shalt  }
0x6f: {  	_ =	shalt  }
0x70: {  	_ =	shalt  }
0x71: {  	_ =	shalt  }
0x72: {  	_ =	shalt  }
0x73: {  	_ =	shalt  }
0x74: {  	_ =	shalt  }
0x75: {  	_ =	shalt  }
0x76: {  	_ =	shalt  }
0x77: {  	_ =	shalt  }
0x78: {  	_ =	shalt  }
0x79: {  	_ =	shalt  }
0x7a: {  	_ =	shalt  }
0x7b: {  	_ =	shalt  }
0x7c: {  	_ =	shalt  }
0x7d: {  	_ =	shalt  }
0x7e: {  	_ =	shalt  }
0x7f: {  	_ =	shalt  }
0x80: {  	_ =	shalt  }
0x81: {  	_ =	shalt  }
0x82: {  	_ =	shalt  }
0x83: {  	_ =	shalt  }
0x84: {  	_ =	shalt  }
0x85: {  	_ =	shalt  }
0x86: {  	_ =	shalt  }
0x87: {  	_ =	shalt  }
.Lfunc_end0:
.L_simem_size_0:
called_computation_lowered:
.L_overlay_start_0:
0x88: {  	s2 =	sld [smem:$0x3FD9]  }
0x89: {  	s3 =	sld [smem:$0x3FFE];
	_ =	sdelay $0x1  }
0x8a: {  	s1 =	srdreg.scid  }
0x8b: {  	s0 =	sand.u32 $0x1, s1  }
0x8c: {  	s14 =	sshll.u32 s0, $0xA;
	s2 =	sadd.s32 s3, s2  }
0x8d: {  	s2 =	sadd.s32 s2, s14  }
0x8e: {  	[smem:$0x3FBF] =	sst s2  }
0x8f: {  	_ = 	snop  }
0x90: {  	s2 =	sld [smem:$0x3FD0];
	_ =	sdelay $0x2  }
0x91: {  	s4 =	simm.s32 $0xA;
	s5 =	simm.s32 $0x10;
	s15 =	sld [smem:$0x3FC9]  }
0x92: {  	[smem:s5], [sflag:s4] =	dma.local [hbm:s2], $0x1  }
0x93: {  	_ =	swait.eq [sflag:s4], $0x1  }
0x94: {  	[sflag:s4] =	ssyncset.done $0x0  }
0x95: {  	[sflag:s4] =	ssyncadd.s32 $0xFFFFFFFF  }
0x96: {  	s16 =	sld [smem:$0x10];
	(tm) =	ssettm $0x1  }
0x97: {  	s17 =	sld [smem:$0x3FFB];
	_ =	sdelay $0x3  }
0x98: {  	_ =	strace s17  }
0x99: {  	s4 =	sld [smem:$0x3FFC];
	_ =	sdelay $0x3  }
0x9a: {  	_ =	strace s4  }
0x9b: {  	s4 =	sld [smem:$0x3FFD];
	_ =	sdelay $0x3  }
0x9c: {  	_ =	strace s4  }
0x9d: {  	_ =	strace $0x8FFFFFFF  }
0x9e: {  	s18 =	sld [smem:$0x3FDB];
	_ =	sdelay $0x1  }
0x9f: {  	s19 =	simm.s32 $_scs_section_size  }
0xa0: {  	s6 =	simm.s32 $_size__tile_overlayer_lowered;
	s7 =	simm.s32 $_tile_overlayer_lowered  }
0xa1: {  	s22 =	simm.s32 $0x1BFF;
	s21 =	sshll.u32 s7, $0x1;
	s4 =	sadd.s32 s19, s18  }
0xa2: {  	s8 =	simm.s32 $0x0;
	s20 =	sshll.u32 s6, $0x1;
	s6 =	sadd.s32 s21, s4  }
0xa3: {  	[timem:s8], [sflag:s22] =	dma.local [hbm:s6], s20  }
0xa4: {  	_ =	swait.ge [sflag:s22], s20  }
0xa5: {  	s5 =	ssub.s32 $0x0, s20;
	[sflag:s22] =	ssyncset.done $0x0  }
0xa6: {  	[sflag:s22] =	ssyncadd.s32 s5;
	_ =	sdelay $0x1  }
0xa7: {  	s23 =	simm.s32 $0x1B8B  }
0xa8: {  	_ =	swait.ge [sflag:s23], $0x1  }
0xa9: {  	[sflag:s23] =	ssyncset.done $0x0  }
0xaa: {  	s25 =	simm.s32 $0x1B8E;
	s24 =	sld [smem:$0x3FFE];
	[sflag:s23] =	ssyncadd.s32 $0xFFFFFFFF  }
0xab: {  	s26 =	simm.s32 $execute0_lowered;
	[smem:$0x3FD2] =	sst s25  }
0xac: {  	s6 =	sshll.u32 s26, $0x1;
	_ =	strace $0x80000046;
	[dreg:$0x1] =	wrdreg $0xFFFFFFFF  }
0xad: {  	s28 =	simm.s32 $_size_execute0_lowered;
	s4 =	sadd.s32 s4, s6;
	[dreg:$0x0] =	wrdreg $0x0  }
0xae: {  	s6 =	sshll.u32 s28, $0x1;
	[dreg:$0x2] =	wrdreg s4  }
0xaf: {  	[dreg:$0x3] =	wrdreg s6  }
0xb0: {  	[dreg:$0x4] =	wrdreg $0xC0  }
0xb1: {  	_ =	task [dreg:s8], $0x5FFFF  }
0xb2: {  	[dreg:$0x1] =	wrdreg $0xFFFFFFFF  }
0xb3: {  	[dreg:$0x0] =	wrdreg $0x60  }
0xb4: {  	[dreg:$0x2] =	wrdreg s15  }
0xb5: {  	[dreg:$0x3] =	wrdreg s24  }
0xb6: {  	[dreg:$0x4] =	wrdreg s16  }
0xb7: {  	[dreg:$0x5] =	wrdreg $0x9  }
0xb8: {  	_ =	task.clear_ibuf [dreg:s8], $0x6FFFF;
	_ =	strace $0x90000046  }
0xb9: {  	s29 =	simm.s32 $0x9;
	_ =	strace $0x80000048  }
0xba: {  	_ =	swait.ge [sflag:s29], $0x1  }
0xbb: {  	[sflag:s29] =	ssyncadd.s32 $0xFFFFFFFF  }
0xbc: {  	_ =	strace $0x90000048  }
0xbd: {  	_ =	sfence  }
0xbe: {  	s30 =	sld [smem:$0x0];
	_ =	sdelay $0x2  }
0xbf: {  	s31 =	sshll.u32 s1, $0xD;
	s1 =	sshrl.u32 s1, $0x2  }
0xc0: {  	s3 =	sand.u32 $0x4000, s31;
	s1 =	sadd.s32 s1, s30  }
0xc1: {  	s0 =	sor.u32 s3, s0;
	s1 =	sshll.u32 s1, $0x11  }
0xc2: {  	s0 =	sor.u32 s1, s0  }
0xc3: {  	s0 =	sadd.s32 $0x8F2B, s0  }
0xc4: {  	[sflag:s0] =	ssyncadd.remote.s32 $0x1  }
0xc5: {  	_ =	sfence.sel $0xFFFF  }
0xc6: {  	[dreg:$0x0] =	wrdreg $0xFFFFFFFF;
	(pc) =	sbr.abs _section_cstart, $3  }
0xc7: {  	[dreg:$0x1] =	wrdreg $0xFFFFFFFF  }
0xc8: {  	_ =	task.clear_ibuf [dreg:s8], $0x2FFFF;
	_ =	strace $0x9FFFFFFF  }
0xc9: {  	(tm) =	ssettm $0x7FFFFFFF  }
tec
execute0_lowered:
.L_overlay_start_1:
0x0: {  	(tag) =	ssettag $0x1  }
0x1: {  	s0 =	rddreg [dreg:$0x0]  }
0x2: {  	s1 =	srdreg.scid;
	s2 =	rddreg [dreg:$0x1]  }
0x3: {  	s3 =	stileid.u32;
	s9 =	simm.s32 $0x2;
	s20 =	simm.s32 $0x1  }
0x4: {  	s21 =	simm.s32 $0x100;
	s28 =	simm.s32 $0x2100;
	s29 =	simm.s32 $0x2900  }
0x5: {  	s30 =	simm.s32 $0x3100;
	s31 =	simm.s32 $0x3900;
	s10 =	simm.s32 $0x5900  }
0x6: {  	s12 =	simm.s32 $0x6100;
	s13 =	simm.s32 $0x6900;
	s14 =	simm.s32 $0x7100  }
0x7: {  	s15 =	simm.s32 $0x7900;
	s16 =	simm.s32 $0x8100;
	s17 =	simm.s32 $0x8900  }
0x8: {  	s18 =	simm.s32 $0x9100;
	s19 =	simm.s32 $0x9900;
	s22 =	simm.s32 $0xA100  }
0x9: {  	s11 =	simm.s32 $0xA900;
	s1 =	sand.u32 $0x1, s1;
	s4 =	sshll.u32 s3, $0x7  }
0xa: {  	s3 =	simm.s32 $0x0;
	s7 =	sadd.s32 $0x19B00, s2;
	s5 =	sshll.u32 s1, $0x6  }
0xb: {  	[smem:$0x7FF] =	sst s3;
	s1 =	ssub.s32 $0x2, s1;
	s4 =	sor.u32 s5, s4  }
0xc: {  	_ =	strace $0x80000047;
	s24 =	sshrl.u32 s1, $0x1;
	s5 =	sshrl.u32 s4, $0x3  }
0xd: {  	s6 =	sshll.u32 s4, $0x4;
	s4 =	sshll.u32 s4, $0x7;
	s1 =	ssub.s32 s1, s24  }
0xe: {  	s5 =	sadd.s32 s5, s2;
	s8 =	sadd.s32 s6, s2;
	s0 =	sadd.s32 s0, s4  }
0xf: {  	s4 =	sadd.s32 $0x19800, s2;
	s23 =	sadd.s32 $0x19400, s5;
	[dreg:$0x6] =	wrdreg s0  }
0x10: {  	s6 =	sadd.s32 $0x19A00, s2;
	s5 =	sadd.s32 $0x19600, s5;
	[dreg:$0x4] =	wrdreg s23  }
0x11: {  	v2 =	vlaneseq.u32;
	s25 =	sadd.s32 $0x9400, s8;
	s26 =	sadd.s32 $0x11400, s8;
	[dreg:$0x5] =	wrdreg s5  }
0x12: {  	vm0 =	vmmov $0xffff;
	v1 =	vshrl.u32 v2, $0x3;
	s8 =	smax.u32 s1, $0x1;
	s5 =	sadd.s32 $0x19900, s2;
	[dreg:$0x7] =	wrdreg s25  }
0x13: {  	v0 =	vand.u32 $0x7, v2;
	v2 =	vor.u32 $0x8, v2;
	v1 =	vmul.u32 $0x8, v1;
	[dreg:$0x8] =	wrdreg s26;
	s26 =	simm.s32 $0x1900;
	s25 =	simm.s32 $0xB100  }
.LBB2_1:
0x14: {  	s23 =	rddreg [dreg:$0x4]  }
0x15: {  	[tilespmem:s3], [sflag:$0x2] =	stream.linear.gather [hbm4b:s23+s3], $0x40, $0x38;
	[tilespmem:$0x12100] =	vst v63  }
0x16: {  	_ =	swait.ge [sflag:s9], $0x40  }
0x17: {  	[sflag:s9] =	ssyncset.done $0x0  }
0x18: {  	s0 =	simm.s32 $0x80;
	s24 =	rddreg [dreg:$0x5];
	[sflag:s9] =	ssyncadd.s32 $0xFFFFFFC0  }
0x19: {  	[tilespmem:s0], [sflag:$0x2] =	stream.linear.gather [hbm4b:s24+s3], $0x40, $0x38;
	[tilespmem:$0x12100] =	vst v63  }
0x1a: {  	_ =	swait.ge [sflag:s9], $0x40  }
0x1b: {  	[sflag:s9] =	ssyncset.done $0x0  }
0x1c: {  	s1 =	rddreg [dreg:$0x6];
	[sflag:s9] =	ssyncadd.s32 $0xFFFFFFC0  }
0x1d: {  	[tilespmem:s21], [sflag:$0x2] =	stream.linear.gather [hbm4b:s1+s3], $0x10000, $0x38;
	[tilespmem:$0x12100] =	vst v63  }
0x1e: {  	_ =	swait.ge [sflag:s9], $0x10000  }
0x1f: {  	[sflag:s9] =	ssyncset.done $0x0  }
0x20: {  	[sflag:s9] =	ssyncadd.s32 $0xFFFF0000  }
0x21: {  	v3 =	vld [tilespmem:$0x0];
	_ =	sdelay $0x4  }
0x22: {  	v4 =	vshll.u32 v3, $0x3  }
0x23: {  	v3 =	vand.u32 $0x7, v3;
	v4 =	vand.u32 $0xFFFFFFC0, v4  }
0x24: {  	v3 =	vor.u32 v3, v4  }
0x25: {  	v4 =	vperm.xlane v3, v0;
	_ =	sdelay $0x1  }
0x26: {  	v4 =	vadd.s32 v1, v4;
	_ =	sdelay $0x4  }
0x27: {  	[hbm4b:s4+s3] =	stream.indirect_vreg.scatter [tilespmem:s21], [sflag:$0x1], $0x80, v4, vm0, $0xb8;
	[tilespmem:$0x12100] =	vst v63  }
0x28: {  	s23 =	simm.s32 $0x900;
	v3 =	vperm.xlane v3, v2  }
0x29: {  	[hbm4b:s5+s3] =	stream.indirect_vreg.scatter [tilespmem:s23], [sflag:$0x1], $0x80, v4, vm0, $0xb8;
	[tilespmem:$0x12100] =	vst v63  }
0x2a: {  	s24 =	simm.s32 $0x1100;
	v3 =	vadd.s32 v1, v3  }
0x2b: {  	[hbm4b:s6+s3] =	stream.indirect_vreg.scatter [tilespmem:s24], [sflag:$0x1], $0x80, v4, vm0, $0xb8;
	[tilespmem:$0x12100] =	vst v63  }
0x2c: {  	_ = 	snop  }
0x2d: {  	[hbm4b:s7+s3] =	stream.indirect_vreg.scatter [tilespmem:s26], [sflag:$0x1], $0x80, v4, vm0, $0xb8;
	[tilespmem:$0x12100] =	vst v63  }
0x2e: {  	_ = 	snop  }
0x2f: {  	[hbm4b:s4+s3] =	stream.indirect_vreg.scatter [tilespmem:s28], [sflag:$0x1], $0x80, v3, vm0, $0xb8;
	[tilespmem:$0x12100] =	vst v63  }
0x30: {  	_ = 	snop  }
0x31: {  	[hbm4b:s5+s3] =	stream.indirect_vreg.scatter [tilespmem:s29], [sflag:$0x1], $0x80, v3, vm0, $0xb8;
	[tilespmem:$0x12100] =	vst v63  }
0x32: {  	_ = 	snop  }
0x33: {  	[hbm4b:s6+s3] =	stream.indirect_vreg.scatter [tilespmem:s30], [sflag:$0x1], $0x80, v3, vm0, $0xb8;
	[tilespmem:$0x12100] =	vst v63  }
0x34: {  	_ = 	snop  }
0x35: {  	[hbm4b:s7+s3] =	stream.indirect_vreg.scatter [tilespmem:s31], [sflag:$0x1], $0x80, v3, vm0, $0xb8;
	[tilespmem:$0x12100] =	vst v63  }
0x36: {  	v3 =	vld [tilespmem:$0x10];
	_ =	sdelay $0x4  }
0x37: {  	v57 =	vshll.u32 v3, $0x3  }
0x38: {  	v3 =	vand.u32 $0x7, v3;
	v4 =	vand.u32 $0xFFFFFFC0, v57  }
0x39: {  	v3 =	vor.u32 v3, v4  }
0x3a: {  	v4 =	vperm.xlane v3, v0;
	_ =	sdelay $0x1  }
0x3b: {  	v4 =	vadd.s32 v1, v4;
	_ =	sdelay $0x3  }
0x3c: {  	s1 =	simm.s32 $0x4100  }
0x3d: {  	[hbm4b:s4+s3] =	stream.indirect_vreg.scatter [tilespmem:s1], [sflag:$0x1], $0x80, v4, vm0, $0xb8;
	[tilespmem:$0x12100] =	vst v63  }
0x3e: {  	s2 =	simm.s32 $0x4900;
	v3 =	vperm.xlane v3, v2  }
0x3f: {  	[hbm4b:s5+s3] =	stream.indirect_vreg.scatter [tilespmem:s2], [sflag:$0x1], $0x80, v4, vm0, $0xb8;
	[tilespmem:$0x12100] =	vst v63  }
0x40: {  	v3 =	vadd.s32 v1, v3;
	s2 =	simm.s32 $0x5100  }
0x41: {  	[hbm4b:s6+s3] =	stream.indirect_vreg.scatter [tilespmem:s2], [sflag:$0x1], $0x80, v4, vm0, $0xb8;
	[tilespmem:$0x12100] =	vst v63  }
0x42: {  	_ = 	snop  }
0x43: {  	[hbm4b:s7+s3] =	stream.indirect_vreg.scatter [tilespmem:s10], [sflag:$0x1], $0x80, v4, vm0, $0xb8;
	[tilespmem:$0x12100] =	vst v63  }
0x44: {  	_ = 	snop  }
0x45: {  	[hbm4b:s4+s3] =	stream.indirect_vreg.scatter [tilespmem:s12], [sflag:$0x1], $0x80, v3, vm0, $0xb8;
	[tilespmem:$0x12100] =	vst v63  }
0x46: {  	_ = 	snop  }
0x47: {  	[hbm4b:s5+s3] =	stream.indirect_vreg.scatter [tilespmem:s13], [sflag:$0x1], $0x80, v3, vm0, $0xb8;
	[tilespmem:$0x12100] =	vst v63  }
0x48: {  	_ = 	snop  }
0x49: {  	[hbm4b:s6+s3] =	stream.indirect_vreg.scatter [tilespmem:s14], [sflag:$0x1], $0x80, v3, vm0, $0xb8;
	[tilespmem:$0x12100] =	vst v63  }
0x4a: {  	_ = 	snop  }
0x4b: {  	[hbm4b:s7+s3] =	stream.indirect_vreg.scatter [tilespmem:s15], [sflag:$0x1], $0x80, v3, vm0, $0xb8;
	[tilespmem:$0x12100] =	vst v63  }
0x4c: {  	v3 =	vld [tilespmem:$0x20];
	_ =	sdelay $0x4  }
0x4d: {  	v58 =	vshll.u32 v3, $0x3  }
0x4e: {  	v3 =	vand.u32 $0x7, v3;
	v4 =	vand.u32 $0xFFFFFFC0, v58  }
0x4f: {  	v3 =	vor.u32 v3, v4  }
0x50: {  	v4 =	vperm.xlane v3, v0;
	_ =	sdelay $0x1  }
0x51: {  	v4 =	vadd.s32 v1, v4;
	_ =	sdelay $0x4  }
0x52: {  	[hbm4b:s4+s3] =	stream.indirect_vreg.scatter [tilespmem:s16], [sflag:$0x1], $0x80, v4, vm0, $0xb8;
	[tilespmem:$0x12100] =	vst v63  }
0x53: {  	v3 =	vperm.xlane v3, v2  }
0x54: {  	[hbm4b:s5+s3] =	stream.indirect_vreg.scatter [tilespmem:s17], [sflag:$0x1], $0x80, v4, vm0, $0xb8;
	[tilespmem:$0x12100] =	vst v63  }
0x55: {  	v3 =	vadd.s32 v1, v3  }
0x56: {  	[hbm4b:s6+s3] =	stream.indirect_vreg.scatter [tilespmem:s18], [sflag:$0x1], $0x80, v4, vm0, $0xb8;
	[tilespmem:$0x12100] =	vst v63  }
0x57: {  	_ = 	snop  }
0x58: {  	[hbm4b:s7+s3] =	stream.indirect_vreg.scatter [tilespmem:s19], [sflag:$0x1], $0x80, v4, vm0, $0xb8;
	[tilespmem:$0x12100] =	vst v63  }
0x59: {  	_ = 	snop  }
0x5a: {  	[hbm4b:s4+s3] =	stream.indirect_vreg.scatter [tilespmem:s22], [sflag:$0x1], $0x80, v3, vm0, $0xb8;
	[tilespmem:$0x12100] =	vst v63  }
0x5b: {  	_ = 	snop  }
0x5c: {  	[hbm4b:s5+s3] =	stream.indirect_vreg.scatter [tilespmem:s11], [sflag:$0x1], $0x80, v3, vm0, $0xb8;
	[tilespmem:$0x12100] =	vst v63  }
0x5d: {  	_ = 	snop  }
0x5e: {  	[hbm4b:s6+s3] =	stream.indirect_vreg.scatter [tilespmem:s25], [sflag:$0x1], $0x80, v3, vm0, $0xb8;
	[tilespmem:$0x12100] =	vst v63  }
0x5f: {  	s0 =	simm.s32 $0xB900  }
0x60: {  	[hbm4b:s7+s3] =	stream.indirect_vreg.scatter [tilespmem:s0], [sflag:$0x1], $0x80, v3, vm0, $0xb8;
	[tilespmem:$0x12100] =	vst v63  }
0x61: {  	v3 =	vld [tilespmem:$0x30];
	_ =	sdelay $0x4  }
0x62: {  	v59 =	vshll.u32 v3, $0x3  }
0x63: {  	v3 =	vand.u32 $0x7, v3;
	v4 =	vand.u32 $0xFFFFFFC0, v59  }
0x64: {  	v3 =	vor.u32 v3, v4  }
0x65: {  	v4 =	vperm.xlane v3, v0;
	_ =	sdelay $0x1  }
0x66: {  	v4 =	vadd.s32 v1, v4;
	_ =	sdelay $0x3  }
0x67: {  	s0 =	simm.s32 $0xC100  }
0x68: {  	[hbm4b:s4+s3] =	stream.indirect_vreg.scatter [tilespmem:s0], [sflag:$0x1], $0x80, v4, vm0, $0xb8;
	[tilespmem:$0x12100] =	vst v63  }
0x69: {  	v3 =	vperm.xlane v3, v2;
	s0 =	simm.s32 $0xC900  }
0x6a: {  	[hbm4b:s5+s3] =	stream.indirect_vreg.scatter [tilespmem:s0], [sflag:$0x1], $0x80, v4, vm0, $0xb8;
	[tilespmem:$0x12100] =	vst v63  }
0x6b: {  	v3 =	vadd.s32 v1, v3;
	s0 =	simm.s32 $0xD100  }
0x6c: {  	[hbm4b:s6+s3] =	stream.indirect_vreg.scatter [tilespmem:s0], [sflag:$0x1], $0x80, v4, vm0, $0xb8;
	[tilespmem:$0x12100] =	vst v63  }
0x6d: {  	s0 =	simm.s32 $0xD900  }
0x6e: {  	[hbm4b:s7+s3] =	stream.indirect_vreg.scatter [tilespmem:s0], [sflag:$0x1], $0x80, v4, vm0, $0xb8;
	[tilespmem:$0x12100] =	vst v63  }
0x6f: {  	s0 =	simm.s32 $0xE100  }
0x70: {  	[hbm4b:s4+s3] =	stream.indirect_vreg.scatter [tilespmem:s0], [sflag:$0x1], $0x80, v3, vm0, $0xb8;
	[tilespmem:$0x12100] =	vst v63  }
0x71: {  	s0 =	simm.s32 $0xE900  }
0x72: {  	[hbm4b:s5+s3] =	stream.indirect_vreg.scatter [tilespmem:s0], [sflag:$0x1], $0x80, v3, vm0, $0xb8;
	[tilespmem:$0x12100] =	vst v63  }
0x73: {  	s0 =	simm.s32 $0xF100  }
0x74: {  	[hbm4b:s6+s3] =	stream.indirect_vreg.scatter [tilespmem:s0], [sflag:$0x1], $0x80, v3, vm0, $0xb8;
	[tilespmem:$0x12100] =	vst v63  }
0x75: {  	s0 =	simm.s32 $0xF900  }
0x76: {  	[hbm4b:s7+s3] =	stream.indirect_vreg.scatter [tilespmem:s0], [sflag:$0x1], $0x80, v3, vm0, $0xb8;
	[tilespmem:$0x12100] =	vst v63  }
0x77: {  	_ =	swait.ge [sflag:s20], $0x10000  }
0x78: {  	[sflag:s20] =	ssyncset.done $0x0  }
0x79: {  	[sflag:s20] =	ssyncadd.s32 $0xFFFF0000  }
0x7a: {  	v3 =	vld [tilespmem:$0x80];
	_ =	sdelay $0x4  }
0x7b: {  	v60 =	vshll.u32 v3, $0x3  }
0x7c: {  	v3 =	vand.u32 $0x7, v3;
	v4 =	vand.u32 $0xFFFFFFC0, v60  }
0x7d: {  	v3 =	vor.u32 v3, v4  }
0x7e: {  	v4 =	vperm.xlane v3, v0;
	_ =	sdelay $0x1  }
0x7f: {  	v4 =	vadd.s32 v1, v4;
	_ =	sdelay $0x4  }
0x80: {  	[hbm4b:s4+s3] =	stream.indirect_vreg.scatter [tilespmem:s21], [sflag:$0x1], $0x80, v4, vm0, $0xb8;
	[tilespmem:$0x12100] =	vst v63  }
0x81: {  	v3 =	vperm.xlane v3, v2  }
0x82: {  	[hbm4b:s5+s3] =	stream.indirect_vreg.scatter [tilespmem:s23], [sflag:$0x1], $0x80, v4, vm0, $0xb8;
	[tilespmem:$0x12100] =	vst v63  }
0x83: {  	v3 =	vadd.s32 v1, v3  }
0x84: {  	[hbm4b:s6+s3] =	stream.indirect_vreg.scatter [tilespmem:s24], [sflag:$0x1], $0x80, v4, vm0, $0xb8;
	[tilespmem:$0x12100] =	vst v63  }
0x85: {  	_ = 	snop  }
0x86: {  	[hbm4b:s7+s3] =	stream.indirect_vreg.scatter [tilespmem:s26], [sflag:$0x1], $0x80, v4, vm0, $0xb8;
	[tilespmem:$0x12100] =	vst v63  }
0x87: {  	_ = 	snop  }
0x88: {  	[hbm4b:s4+s3] =	stream.indirect_vreg.scatter [tilespmem:s28], [sflag:$0x1], $0x80, v3, vm0, $0xb8;
	[tilespmem:$0x12100] =	vst v63  }
0x89: {  	_ = 	snop  }
0x8a: {  	[hbm4b:s5+s3] =	stream.indirect_vreg.scatter [tilespmem:s29], [sflag:$0x1], $0x80, v3, vm0, $0xb8;
	[tilespmem:$0x12100] =	vst v63  }
0x8b: {  	_ = 	snop  }
0x8c: {  	[hbm4b:s6+s3] =	stream.indirect_vreg.scatter [tilespmem:s30], [sflag:$0x1], $0x80, v3, vm0, $0xb8;
	[tilespmem:$0x12100] =	vst v63  }
0x8d: {  	_ = 	snop  }
0x8e: {  	[hbm4b:s7+s3] =	stream.indirect_vreg.scatter [tilespmem:s31], [sflag:$0x1], $0x80, v3, vm0, $0xb8;
	[tilespmem:$0x12100] =	vst v63  }
0x8f: {  	v3 =	vld [tilespmem:$0x90];
	_ =	sdelay $0x4  }
0x90: {  	v61 =	vshll.u32 v3, $0x3  }
0x91: {  	v3 =	vand.u32 $0x7, v3;
	v4 =	vand.u32 $0xFFFFFFC0, v61  }
0x92: {  	v3 =	vor.u32 v3, v4  }
0x93: {  	v4 =	vperm.xlane v3, v0;
	_ =	sdelay $0x1  }
0x94: {  	v4 =	vadd.s32 v1, v4;
	_ =	sdelay $0x4  }
0x95: {  	[hbm4b:s4+s3] =	stream.indirect_vreg.scatter [tilespmem:s1], [sflag:$0x1], $0x80, v4, vm0, $0xb8;
	[tilespmem:$0x12100] =	vst v63  }
0x96: {  	s23 =	simm.s32 $0x4900;
	v3 =	vperm.xlane v3, v2  }
0x97: {  	[hbm4b:s5+s3] =	stream.indirect_vreg.scatter [tilespmem:s23], [sflag:$0x1], $0x80, v4, vm0, $0xb8;
	[tilespmem:$0x12100] =	vst v63  }
0x98: {  	v3 =	vadd.s32 v1, v3  }
0x99: {  	[hbm4b:s6+s3] =	stream.indirect_vreg.scatter [tilespmem:s2], [sflag:$0x1], $0x80, v4, vm0, $0xb8;
	[tilespmem:$0x12100] =	vst v63  }
0x9a: {  	_ = 	snop  }
0x9b: {  	[hbm4b:s7+s3] =	stream.indirect_vreg.scatter [tilespmem:s10], [sflag:$0x1], $0x80, v4, vm0, $0xb8;
	[tilespmem:$0x12100] =	vst v63  }
0x9c: {  	_ = 	snop  }
0x9d: {  	[hbm4b:s4+s3] =	stream.indirect_vreg.scatter [tilespmem:s12], [sflag:$0x1], $0x80, v3, vm0, $0xb8;
	[tilespmem:$0x12100] =	vst v63  }
0x9e: {  	_ = 	snop  }
0x9f: {  	[hbm4b:s5+s3] =	stream.indirect_vreg.scatter [tilespmem:s13], [sflag:$0x1], $0x80, v3, vm0, $0xb8;
	[tilespmem:$0x12100] =	vst v63  }
0xa0: {  	_ = 	snop  }
0xa1: {  	[hbm4b:s6+s3] =	stream.indirect_vreg.scatter [tilespmem:s14], [sflag:$0x1], $0x80, v3, vm0, $0xb8;
	[tilespmem:$0x12100] =	vst v63  }
0xa2: {  	_ = 	snop  }
0xa3: {  	[hbm4b:s7+s3] =	stream.indirect_vreg.scatter [tilespmem:s15], [sflag:$0x1], $0x80, v3, vm0, $0xb8;
	[tilespmem:$0x12100] =	vst v63  }
0xa4: {  	v3 =	vld [tilespmem:$0xA0];
	_ =	sdelay $0x4  }
0xa5: {  	v62 =	vshll.u32 v3, $0x3  }
0xa6: {  	v3 =	vand.u32 $0x7, v3;
	v4 =	vand.u32 $0xFFFFFFC0, v62  }
0xa7: {  	v3 =	vor.u32 v3, v4  }
0xa8: {  	v4 =	vperm.xlane v3, v0;
	_ =	sdelay $0x1  }
0xa9: {  	v4 =	vadd.s32 v1, v4;
	_ =	sdelay $0x4  }
0xaa: {  	[hbm4b:s4+s3] =	stream.indirect_vreg.scatter [tilespmem:s16], [sflag:$0x1], $0x80, v4, vm0, $0xb8;
	[tilespmem:$0x12100] =	vst v63  }
0xab: {  	v3 =	vperm.xlane v3, v2  }
0xac: {  	[hbm4b:s5+s3] =	stream.indirect_vreg.scatter [tilespmem:s17], [sflag:$0x1], $0x80, v4, vm0, $0xb8;
	[tilespmem:$0x12100] =	vst v63  }
0xad: {  	v3 =	vadd.s32 v1, v3  }
0xae: {  	[hbm4b:s6+s3] =	stream.indirect_vreg.scatter [tilespmem:s18], [sflag:$0x1], $0x80, v4, vm0, $0xb8;
	[tilespmem:$0x12100] =	vst v63  }
0xaf: {  	_ = 	snop  }
0xb0: {  	[hbm4b:s7+s3] =	stream.indirect_vreg.scatter [tilespmem:s19], [sflag:$0x1], $0x80, v4, vm0, $0xb8;
	[tilespmem:$0x12100] =	vst v63  }
0xb1: {  	_ = 	snop  }
0xb2: {  	[hbm4b:s4+s3] =	stream.indirect_vreg.scatter [tilespmem:s22], [sflag:$0x1], $0x80, v3, vm0, $0xb8;
	[tilespmem:$0x12100] =	vst v63  }
0xb3: {  	_ = 	snop  }
0xb4: {  	[hbm4b:s5+s3] =	stream.indirect_vreg.scatter [tilespmem:s11], [sflag:$0x1], $0x80, v3, vm0, $0xb8;
	[tilespmem:$0x12100] =	vst v63  }
0xb5: {  	_ = 	snop  }
0xb6: {  	[hbm4b:s6+s3] =	stream.indirect_vreg.scatter [tilespmem:s25], [sflag:$0x1], $0x80, v3, vm0, $0xb8;
	[tilespmem:$0x12100] =	vst v63  }
0xb7: {  	s24 =	simm.s32 $0xB900  }
0xb8: {  	[hbm4b:s7+s3] =	stream.indirect_vreg.scatter [tilespmem:s24], [sflag:$0x1], $0x80, v3, vm0, $0xb8;
	[tilespmem:$0x12100] =	vst v63  }
0xb9: {  	v3 =	vld [tilespmem:$0xB0];
	_ =	sdelay $0x4  }
0xba: {  	v63 =	vshll.u32 v3, $0x3  }
0xbb: {  	v3 =	vand.u32 $0x7, v3;
	v4 =	vand.u32 $0xFFFFFFC0, v63  }
0xbc: {  	v3 =	vor.u32 v3, v4  }
0xbd: {  	v4 =	vperm.xlane v3, v0;
	_ =	sdelay $0x1  }
0xbe: {  	v4 =	vadd.s32 v1, v4;
	_ =	sdelay $0x3  }
0xbf: {  	s1 =	simm.s32 $0xC100  }
0xc0: {  	[hbm4b:s4+s3] =	stream.indirect_vreg.scatter [tilespmem:s1], [sflag:$0x1], $0x80, v4, vm0, $0xb8;
	[tilespmem:$0x12100] =	vst v63  }
0xc1: {  	s2 =	simm.s32 $0xC900;
	v3 =	vperm.xlane v3, v2  }
0xc2: {  	[hbm4b:s5+s3] =	stream.indirect_vreg.scatter [tilespmem:s2], [sflag:$0x1], $0x80, v4, vm0, $0xb8;
	[tilespmem:$0x12100] =	vst v63  }
0xc3: {  	s23 =	simm.s32 $0xD100;
	v3 =	vadd.s32 v1, v3  }
0xc4: {  	[hbm4b:s6+s3] =	stream.indirect_vreg.scatter [tilespmem:s23], [sflag:$0x1], $0x80, v4, vm0, $0xb8;
	[tilespmem:$0x12100] =	vst v63  }
0xc5: {  	s24 =	simm.s32 $0xD900  }
0xc6: {  	[hbm4b:s7+s3] =	stream.indirect_vreg.scatter [tilespmem:s24], [sflag:$0x1], $0x80, v4, vm0, $0xb8;
	[tilespmem:$0x12100] =	vst v63  }
0xc7: {  	s1 =	simm.s32 $0xE100  }
0xc8: {  	[hbm4b:s4+s3] =	stream.indirect_vreg.scatter [tilespmem:s1], [sflag:$0x1], $0x80, v3, vm0, $0xb8;
	[tilespmem:$0x12100] =	vst v63  }
0xc9: {  	s2 =	simm.s32 $0xE900  }
0xca: {  	[hbm4b:s5+s3] =	stream.indirect_vreg.scatter [tilespmem:s2], [sflag:$0x1], $0x80, v3, vm0, $0xb8;
	[tilespmem:$0x12100] =	vst v63  }
0xcb: {  	s23 =	simm.s32 $0xF100  }
0xcc: {  	[hbm4b:s6+s3] =	stream.indirect_vreg.scatter [tilespmem:s23], [sflag:$0x1], $0x80, v3, vm0, $0xb8;
	[tilespmem:$0x12100] =	vst v63  }
0xcd: {  	s24 =	simm.s32 $0xF900  }
0xce: {  	[hbm4b:s7+s3] =	stream.indirect_vreg.scatter [tilespmem:s24], [sflag:$0x1], $0x80, v3, vm0, $0xb8;
	[tilespmem:$0x12100] =	vst v63  }
0xcf: {  	_ =	swait.ge [sflag:s20], $0x10000  }
0xd0: {  	[sflag:s20] =	ssyncset.done $0x0  }
0xd1: {  	s0 =	simm.s32 $0x10100;
	s1 =	rddreg [dreg:$0x7];
	[sflag:s20] =	ssyncadd.s32 $0xFFFF0000  }
0xd2: {  	[tilespmem:s0], [sflag:$0x2] =	stream.linear.gather [hbm4b:s1+s3], $0x2000, $0x38;
	[tilespmem:$0x12100] =	vst v63  }
0xd3: {  	_ =	swait.ge [sflag:s9], $0x2000  }
0xd4: {  	[sflag:s9] =	ssyncset.done $0x0  }
0xd5: {  	[sflag:s9] =	ssyncadd.s32 $0xFFFFE000  }
0xd6: {  	s1 =	simm.s32 $0x40;
	s24 =	rddreg [dreg:$0x2]  }
0xd7: {  	[hbm4b:s24+s1] =	stream.indirect.scatter [tilespmem:s0], [sflag:$0x1], $0x80, s3, s1, $0xb8;
	[tilespmem:$0x12100] =	vst v63  }
0xd8: {  	_ =	swait.ge [sflag:s20], $0x2000  }
0xd9: {  	[sflag:s20] =	ssyncset.done $0x0  }
0xda: {  	s2 =	rddreg [dreg:$0x8];
	[sflag:s20] =	ssyncadd.s32 $0xFFFFE000  }
0xdb: {  	[tilespmem:s0], [sflag:$0x2] =	stream.linear.gather [hbm4b:s2+s3], $0x2000, $0x38;
	[tilespmem:$0x12100] =	vst v63  }
0xdc: {  	_ =	swait.ge [sflag:s9], $0x2000  }
0xdd: {  	p0 =	sne.s32 s8, $0x1;
	[sflag:s9] =	ssyncset.done $0x0  }
.Ltmp0:
0xde: {  	s23 =	simm.s32 $0x80;
	[sflag:s9] =	ssyncadd.s32 $0xFFFFE000;
	(pc) =	sbr.rel @p0 .LBB2_1-.Ltmp0, $4  }
0xdf: {  	[hbm4b:s24+s1] =	stream.indirect.scatter [tilespmem:s0], [sflag:$0x1], $0x80, s23, s1, $0xb8;
	[tilespmem:$0x12100] =	vst v63  }
0xe0: {  	_ =	swait.ge [sflag:s20], $0x2000  }
0xe1: {  	[sflag:s20] =	ssyncset.done $0x0  }
0xe2: {  	s8 =	sadd.s32 $0xFFFFFFFF, s8;
	[sflag:s20] =	ssyncadd.s32 $0xFFFFE000  }
0xe3: {  	_ =	sfence.sel $0x180000  }
0xe4: {  	[bflag:$0x0] =	sbarrier.arrive $0xFFFF  }
0xe5: {  	_ =	strace $0x90000047  }
0xe6: {  	s0 =	stileid.u32;
	[bflag:$0x2] =	sbarrier.arrive $0xFFFF  }
0xe7: {  	p0 =	sne.s32 s0, $0x0;
	s0 =	rddreg [dreg:$0x3]  }
0xe8: {  	s0 =	sadd.s32 @!p0 $0x100000, s0  }
0xe9: {  	[sflag:s0] =	ssyncadd.tile.s32 @!p0 $0x1;
	_ =	shalt  }
.Lfunc_end2:
_tile_overlayer_lowered:
.L_overlay_start_2:
0xea: {  	(tag) =	ssettag $0x2  }
0xeb: {  	s0 =	rddreg [dreg:$0x0];
	s2 =	stileid.u32  }
0xec: {  	s1 =	rddreg [dreg:$0x1];
	p0 =	sne.s32 s2, $0x0  }
0xed: {  	s3 =	rddreg [dreg:$0x2];
	[bflag:$0x3] =	sbarrier.arrive $0xFFFF;
	s2 =	simm.s32 @!p0 $0x1C02  }
0xee: {  	[timem:s3], [sflag:s2] =	dma.local @!p0 [hbm:s0], s1  }
0xef: {  	s0 =	simm.s32 @!p0 $0x2  }
0xf0: {  	_ =	swait.ge @!p0 [sflag:s0], s1  }
0xf1: {  	s1 =	ssub.s32 @!p0 $0x0, s1;
	[sflag:s0] =	ssyncset.done @!p0 $0x0  }
0xf2: {  	[sflag:s0] =	ssyncadd.s32 @!p0 s1  }
0xf3: {  	[bflag:$0x3] =	sbarrier.arrive $0xFFFF  }
0xf4: {  	_ =	shalt  }

</sc_bundles>
